<compile_context>
chip_gen: v7x
topology: tpu7x:2x2x1
jax: 0.10.2.dev20260603
libtpu: 0.0.44.dev20260713+nightly
codegen_flags: <defaults>
</compile_context>

<pallas_src>
import jax
import jax.numpy as jnp
from jax import lax
from jax.experimental import pallas as pl
from jax.experimental.pallas import tpu as pltpu
from jax.experimental.pallas import tpu_sc as plsc

E = 16
K = 2
D = 1024
F = 512
T = 2048
TK = T * K
BM = 256
NB = TK // BM
NV = NB + E - 1

NC = 2
NS = 16
NW = NC * NS
RPW = TK // NW
GC = 32
NCHUNK = RPW // GC


def _sc_gather_body(src_hbm, idx_hbm, out_hbm,
                    idx0, idx1, buf0, buf1, gsem0, gsem1, wsem0, wsem1):
    c = lax.axis_index("c")
    s = lax.axis_index("s")
    wid = s * NC + c
    base = wid * RPW
    idxs = (idx0, idx1)
    bufs = (buf0, buf1)
    gsems = (gsem0, gsem1)
    wsems = (wsem0, wsem1)
    pltpu.sync_copy(idx_hbm.at[pl.ds(base, GC)], idx0)
    g = {0: pltpu.async_copy(src_hbm.at[idx0], buf0, gsem0)}
    w = {}
    for j in range(NCHUNK):
        b = j % 2
        if j + 1 < NCHUNK:
            nb = (j + 1) % 2
            if j - 1 >= 0:
                w[j - 1].wait()
            pltpu.sync_copy(idx_hbm.at[pl.ds(base + (j + 1) * GC, GC)],
                            idxs[nb])
            g[j + 1] = pltpu.async_copy(src_hbm.at[idxs[nb]], bufs[nb],
                                        gsems[nb])
        g[j].wait()
        w[j] = pltpu.async_copy(bufs[b], out_hbm.at[pl.ds(base + j * GC, GC)],
                                wsems[b])
    if NCHUNK >= 2:
        w[NCHUNK - 2].wait()
    w[NCHUNK - 1].wait()


def _sc_gather(src, idx):
    n = idx.shape[0]
    d = src.shape[1]
    return pl.kernel(
        _sc_gather_body,
        out_type=jax.ShapeDtypeStruct((n, d), src.dtype),
        mesh=plsc.VectorSubcoreMesh(core_axis_name="c", subcore_axis_name="s"),
        scratch_types=[
            pltpu.VMEM((GC,), jnp.int32),
            pltpu.VMEM((GC,), jnp.int32),
            pltpu.VMEM((GC, d), src.dtype),
            pltpu.VMEM((GC, d), src.dtype),
            pltpu.SemaphoreType.DMA,
            pltpu.SemaphoreType.DMA,
            pltpu.SemaphoreType.DMA,
            pltpu.SemaphoreType.DMA,
        ],
    )(src, idx)


NBUF = 3


def _issue_w_fetch(w13_hbm, w2_hbm, w13_buf, w2_buf, sem13, sem2, e, slot):
    pltpu.make_async_copy(w13_hbm.at[e], w13_buf.at[slot], sem13.at[slot]
                          ).start()
    pltpu.make_async_copy(w2_hbm.at[e], w2_buf.at[slot], sem2.at[slot]
                          ).start()


def _group_mlp_kernel(meta_ref, pre_ref, xs_ref, w13_hbm, w2_hbm, out_ref,
                      w13_buf, w2_buf, sem13, sem2):
    s = pl.program_id(0)
    tile = meta_ref[0, s]
    lo = meta_ref[1, s]
    hi = meta_ref[2, s]
    change = meta_ref[3, s]
    cur_slot = meta_ref[4, s]
    fetch_e = meta_ref[5, s]
    fetch_slot = meta_ref[6, s]
    del tile

    @pl.when(s == 0)
    def _prologue():
        _issue_w_fetch(w13_hbm, w2_hbm, w13_buf, w2_buf, sem13, sem2,
                       pre_ref[0], 0)

        @pl.when(pre_ref[1] >= 0)
        def _pre1():
            _issue_w_fetch(w13_hbm, w2_hbm, w13_buf, w2_buf, sem13, sem2,
                           pre_ref[1], 1)

    @pl.when(change == 1)
    def _run_boundary():
        @pl.when(fetch_e >= 0)
        def _ahead():
            _issue_w_fetch(w13_hbm, w2_hbm, w13_buf, w2_buf, sem13, sem2,
                           fetch_e, fetch_slot)

        pltpu.make_async_copy(w13_hbm.at[0], w13_buf.at[cur_slot],
                              sem13.at[cur_slot]).wait()
        pltpu.make_async_copy(w2_hbm.at[0], w2_buf.at[cur_slot],
                              sem2.at[cur_slot]).wait()

    @pl.when(hi > lo)
    def _visit():
        xb = xs_ref[...]
        w13e = w13_buf[cur_slot]
        gu = lax.dot_general(xb, w13e, (((1,), (1,)), ((), ())),
                             preferred_element_type=jnp.float32)
        g = gu[:, :F]
        u = gu[:, F:]
        h = g * jax.nn.sigmoid(g) * u
        rows = lax.broadcasted_iota(jnp.int32, (BM, 1), 0)
        mask = ((rows >= lo) & (rows < hi)).astype(jnp.float32)
        contrib = lax.dot_general(h * mask, w2_buf[cur_slot],
                                  (((1,), (1,)), ((), ())),
                                  preferred_element_type=jnp.float32)

        @pl.when(lo == 0)
        def _init():
            out_ref[...] = contrib

        @pl.when(lo > 0)
        def _acc():
            out_ref[...] += contrib


def _group_mlp(vmeta, pre, xs, w13_weight, w2_weight):
    grid_spec = pltpu.PrefetchScalarGridSpec(
        num_scalar_prefetch=2,
        grid=(NV,),
        in_specs=[
            pl.BlockSpec((BM, D), lambda s, m, p: (m[0, s], 0)),
            pl.BlockSpec(memory_space=pl.ANY),
            pl.BlockSpec(memory_space=pl.ANY),
        ],
        out_specs=pl.BlockSpec((BM, D), lambda s, m, p: (m[0, s], 0)),
        scratch_shapes=[
            pltpu.VMEM((NBUF, 2 * F, D), jnp.float32),
            pltpu.VMEM((NBUF, D, F), jnp.float32),
            pltpu.SemaphoreType.DMA((NBUF,)),
            pltpu.SemaphoreType.DMA((NBUF,)),
        ],
    )
    return pl.pallas_call(
        _group_mlp_kernel,
        grid_spec=grid_spec,
        out_shape=jax.ShapeDtypeStruct((TK, D), jnp.float32),
        compiler_params=pltpu.CompilerParams(
            dimension_semantics=("arbitrary",),
        ),
    )(vmeta, pre, xs, w13_weight, w2_weight)


_BT2 = 512


def _pair_sum_kernel(tw_ref, ysu_ref, out_ref):
    t = pl.program_id(0)
    a = ysu_ref[...]
    tw = tw_ref[pl.ds(t * _BT2, _BT2), :]
    w0 = tw[:, 0:1]
    w1 = tw[:, 1:2]
    out_ref[...] = a[:, :D] * w0 + a[:, D:] * w1


def _pair_sum(topk_weights, ysu):
    return pl.pallas_call(
        _pair_sum_kernel,
        grid=(T // _BT2,),
        in_specs=[
            pl.BlockSpec((T, K), lambda t: (0, 0)),
            pl.BlockSpec((_BT2, K * D), lambda t: (t, 0)),
        ],
        out_specs=pl.BlockSpec((_BT2, D), lambda t: (t, 0)),
        out_shape=jax.ShapeDtypeStruct((T, D), jnp.float32),
    )(topk_weights, ysu)


def kernel(x, topk_weights, topk_ids, w13_weight, w2_weight):
    flat_ids = topk_ids.reshape(-1)
    ar = jnp.arange(TK, dtype=jnp.int32)
    skey = flat_ids.astype(jnp.int32) * TK + ar
    ssort = jnp.sort(skey)
    perm = ssort & (TK - 1)
    row_ids = perm // K
    inv = jnp.zeros((TK,), jnp.int32).at[perm].set(ar)
    goff = jnp.searchsorted(
        ssort, jnp.arange(1, E + 1, dtype=jnp.int32) * TK,
        side="left").astype(jnp.int32)
    P = jnp.sort(jnp.concatenate(
        [jnp.arange(NB, dtype=jnp.int32) * BM, goff[:-1]]))
    Pn = jnp.concatenate([P[1:], jnp.array([TK], jnp.int32)])
    tile = jnp.clip(P // BM, 0, NB - 1)
    expert = jnp.clip(jnp.searchsorted(goff, P, side="right"),
                      0, E - 1).astype(jnp.int32)
    lo = P - tile * BM
    hi = jnp.clip(Pn - tile * BM, 0, BM)

    change = jnp.concatenate(
        [jnp.ones((1,), jnp.int32),
         (expert[1:] != expert[:-1]).astype(jnp.int32)])
    run_id = jnp.cumsum(change) - 1
    cur_slot = run_id % NBUF
    run_expert = jnp.full((NV,), -1, jnp.int32).at[run_id].set(expert)
    nruns = run_id[-1] + 1
    rt = run_id + (NBUF - 1)
    fetch_e = jnp.where((change == 1) & (rt < nruns),
                        run_expert[jnp.clip(rt, 0, NV - 1)], -1)
    fetch_slot = rt % NBUF
    vmeta = jnp.stack([tile, lo, hi, change, cur_slot,
                       fetch_e, fetch_slot])
    pre = jnp.stack([run_expert[0],
                     jnp.where(nruns > 1, run_expert[1], -1)])

    xs = _sc_gather(x, row_ids)
    ys = _group_mlp(vmeta, pre, xs, w13_weight, w2_weight)
    ysu = _sc_gather(ys, inv)
    return _pair_sum(topk_weights, ysu.reshape(T, K * D))

# --- scband reference (transcript-rebuilt; emitter-appended) ---
"""Pipeline reference for scband-unquantized-fused-mo-emethod-46909632807490 (READ-ONLY COPY).

The authoritative reference and input builder live on the scoring server;
editing this copy changes nothing except your own understanding.
"""

import jax, jax.numpy as jnp
import numpy as np

E = 16
K = 2
D = 1024
F = 512
T = 2048


def setup_inputs(seed: int = 0) -> dict:
    key = jax.random.key(seed)
    ks = jax.random.split(key, 5)
    x = jax.random.normal(ks[0], (T, D), dtype=jnp.float32)
    topk_weights = jax.random.uniform(ks[1], (T, K), dtype=jnp.float32)
    topk_ids = jax.random.randint(ks[2], (T, K), 0, E, dtype=jnp.int32)
    # fused w13: gate and up projections stacked along dim 0 per expert
    w13_weight = jax.random.normal(ks[3], (E, 2 * F, D), dtype=jnp.float32) * 0.02
    w2_weight = jax.random.normal(ks[4], (E, D, F), dtype=jnp.float32) * 0.02
    return {"x": x, "topk_weights": topk_weights, "topk_ids": topk_ids,
            "w13_weight": w13_weight, "w2_weight": w2_weight}


def reference(x, topk_weights, topk_ids, w13_weight, w2_weight):
    # Fused MoE (no expert parallelism): dispatch tokens to top-k experts,
    # apply silu-gated MLP per expert, combine with router weights.
    Tn, Dn = x.shape
    Kn = topk_ids.shape[1]
    En = w13_weight.shape[0]
    Fn = w13_weight.shape[1] // 2
    flat_ids = topk_ids.reshape(-1)                       # [T*K] traced routing
    flat_w = topk_weights.reshape(-1)                     # [T*K]
    token_idx = jnp.repeat(jnp.arange(Tn), Kn)            # [T*K]
    xf = x[token_idx]                                     # gather [T*K, D]
    out = jnp.zeros((Tn, Dn), dtype=jnp.float32)
    for e in range(En):
        mask = (flat_ids == e).astype(flat_w.dtype)       # [T*K]
        g = xf @ w13_weight[e, :Fn, :].T                  # gate proj
        u = xf @ w13_weight[e, Fn:, :].T                  # up proj
        h = jax.nn.silu(g) * u                            # silu_and_mul
        oe = h @ w2_weight[e].T                           # down proj
        out = out.at[token_idx].add(oe * (flat_w * mask)[:, None])  # weighted scatter-add combine
    return out

if __name__ == "__main__":
    import jax
    _d = setup_inputs()
    print(jax.jit(kernel)(*tuple(_d.values())))

</pallas_src>

<mosaic_0001>
#map = affine_map<(d0, d1) -> (0, 0)>
#map1 = affine_map<(d0, d1) -> (0)>
module attributes {stable_mosaic.version = 14 : i64} {
  func.func @_sc_gather_body(%arg0: i32, %arg1: i32, %arg2: memref<4096x1024xf32, #tpu.memory_space<hbm>>, %arg3: memref<4096xi32, #tpu.memory_space<hbm>>, %arg4: memref<4096x1024xf32, #tpu.memory_space<hbm>>, %arg5: memref<32xi32, #tpu.memory_space<vmem>>, %arg6: memref<32xi32, #tpu.memory_space<vmem>>, %arg7: memref<32x1024xf32, #tpu.memory_space<vmem>>, %arg8: memref<32x1024xf32, #tpu.memory_space<vmem>>, %arg9: memref<!tpu.dma_semaphore, #tpu.memory_space<semaphore_mem>>, %arg10: memref<!tpu.dma_semaphore, #tpu.memory_space<semaphore_mem>>, %arg11: memref<!tpu.dma_semaphore, #tpu.memory_space<semaphore_mem>>, %arg12: memref<!tpu.dma_semaphore, #tpu.memory_space<semaphore_mem>>) attributes {dimension_semantics = [#tpu.dimension_semantics<core_parallel>, #tpu.dimension_semantics<subcore_parallel>], iteration_bounds = array<i64: 2, 16>, scalar_prefetch = 0 : i64, scratch_operands = 8 : i64, tpu.core_type = #tpu.core_type<sc_vector_subcore>, window_params = [{transform_indices = #map}, {transform_indices = #map1}, {transform_indices = #map}]} {
    %mul3A = arith.constant 2 : i32
    %mul3A_0 = arith.muli %arg1, %mul3A : i32
    %add3A = arith.addi %mul3A_0, %arg0 : i32
    %mul3A_1 = arith.constant 128 : i32
    %mul3A_2 = arith.muli %add3A, %mul3A_1 : i32
    "tpu.region"() ({
      %run_scoped3A = tpu.sem_alloc : memref<!tpu.dma_semaphore, #tpu.memory_space<semaphore_mem>>
      %dma_start3A_71 = tpu.memref_slice %arg3[%mul3A_2] : memref<4096xi32, #tpu.memory_space<hbm>> -> memref<32xi32, #tpu.memory_space<hbm>>
      %dma_start3A_72 = tpu.memref_slice %arg3[%mul3A_2] : memref<4096xi32, #tpu.memory_space<hbm>> -> memref<32xi32, #tpu.memory_space<hbm>>
      tpu.enqueue_dma source(%dma_start3A_72 : memref<32xi32, #tpu.memory_space<hbm>>) target(%arg5 : memref<32xi32, #tpu.memory_space<vmem>>) target_semaphore(%run_scoped3A : memref<!tpu.dma_semaphore, #tpu.memory_space<semaphore_mem>>)
      %dma_wait3A_73 = tpu.memref_slice %arg3[%mul3A_2] : memref<4096xi32, #tpu.memory_space<hbm>> -> memref<32xi32, #tpu.memory_space<hbm>>
      %dma_wait3A_74 = tpu.memref_slice %arg3[%mul3A_2] : memref<4096xi32, #tpu.memory_space<hbm>> -> memref<32xi32, #tpu.memory_space<hbm>>
      tpu.wait_dma2 semaphore(%run_scoped3A : memref<!tpu.dma_semaphore, #tpu.memory_space<semaphore_mem>>) src(%dma_wait3A_74 : memref<32xi32, #tpu.memory_space<hbm>>) dst(%arg5 : memref<32xi32, #tpu.memory_space<vmem>>)
      tpu.yield
    }) : () -> ()
    %dma_start3A = arith.constant 0 : i32
    %dma_start3A_3 = arith.constant 0 : i32
    %dma_start3A_4 = tpu.memref_slice %arg2[%dma_start3A, %dma_start3A_3] : memref<4096x1024xf32, #tpu.memory_space<hbm>> -> memref<4096x1024xf32, #tpu.memory_space<hbm>>
    tpu.enqueue_indirect_dma source(%dma_start3A_4 : memref<4096x1024xf32, #tpu.memory_space<hbm>>) target(%arg7 : memref<32x1024xf32, #tpu.memory_space<vmem>>) offsets(%arg5 : memref<32xi32, #tpu.memory_space<vmem>>) semaphore(%arg9 : memref<!tpu.dma_semaphore, #tpu.memory_space<semaphore_mem>>)
    %add3A_5 = arith.constant 32 : i32
    %add3A_6 = arith.addi %mul3A_2, %add3A_5 : i32
    "tpu.region"() ({
      %run_scoped3A = tpu.sem_alloc : memref<!tpu.dma_semaphore, #tpu.memory_space<semaphore_mem>>
      %dma_start3A_71 = tpu.memref_slice %arg3[%add3A_6] : memref<4096xi32, #tpu.memory_space<hbm>> -> memref<32xi32, #tpu.memory_space<hbm>>
      %dma_start3A_72 = tpu.memref_slice %arg3[%add3A_6] : memref<4096xi32, #tpu.memory_space<hbm>> -> memref<32xi32, #tpu.memory_space<hbm>>
      tpu.enqueue_dma source(%dma_start3A_72 : memref<32xi32, #tpu.memory_space<hbm>>) target(%arg6 : memref<32xi32, #tpu.memory_space<vmem>>) target_semaphore(%run_scoped3A : memref<!tpu.dma_semaphore, #tpu.memory_space<semaphore_mem>>)
      %dma_wait3A_73 = tpu.memref_slice %arg3[%add3A_6] : memref<4096xi32, #tpu.memory_space<hbm>> -> memref<32xi32, #tpu.memory_space<hbm>>
      %dma_wait3A_74 = tpu.memref_slice %arg3[%add3A_6] : memref<4096xi32, #tpu.memory_space<hbm>> -> memref<32xi32, #tpu.memory_space<hbm>>
      tpu.wait_dma2 semaphore(%run_scoped3A : memref<!tpu.dma_semaphore, #tpu.memory_space<semaphore_mem>>) src(%dma_wait3A_74 : memref<32xi32, #tpu.memory_space<hbm>>) dst(%arg6 : memref<32xi32, #tpu.memory_space<vmem>>)
      tpu.yield
    }) : () -> ()
    %dma_start3A_7 = arith.constant 0 : i32
    %dma_start3A_8 = arith.constant 0 : i32
    %dma_start3A_9 = tpu.memref_slice %arg2[%dma_start3A_7, %dma_start3A_8] : memref<4096x1024xf32, #tpu.memory_space<hbm>> -> memref<4096x1024xf32, #tpu.memory_space<hbm>>
    tpu.enqueue_indirect_dma source(%dma_start3A_9 : memref<4096x1024xf32, #tpu.memory_space<hbm>>) target(%arg8 : memref<32x1024xf32, #tpu.memory_space<vmem>>) offsets(%arg6 : memref<32xi32, #tpu.memory_space<vmem>>) semaphore(%arg10 : memref<!tpu.dma_semaphore, #tpu.memory_space<semaphore_mem>>)
    %dma_wait3A = arith.constant 0 : i32
    %dma_wait3A_10 = arith.constant 0 : i32
    %dma_wait3A_11 = tpu.memref_slice %arg2[%dma_wait3A, %dma_wait3A_10] : memref<4096x1024xf32, #tpu.memory_space<hbm>> -> memref<4096x1024xf32, #tpu.memory_space<hbm>>
    tpu.wait_indirect_dma semaphore(%arg9 : memref<!tpu.dma_semaphore, #tpu.memory_space<semaphore_mem>>) src(%dma_wait3A_11 : memref<4096x1024xf32, #tpu.memory_space<hbm>>) dst(%arg7 : memref<32x1024xf32, #tpu.memory_space<vmem>>)
    %add3A_12 = arith.constant 0 : i32
    %add3A_13 = arith.addi %mul3A_2, %add3A_12 : i32
    %dma_start3A_14 = arith.constant 0 : i32
    %dma_start3A_15 = tpu.memref_slice %arg4[%add3A_13, %dma_start3A_14] : memref<4096x1024xf32, #tpu.memory_space<hbm>> -> memref<32x1024xf32, #tpu.memory_space<hbm>>
    %dma_start3A_16 = arith.constant 0 : i32
    %dma_start3A_17 = tpu.memref_slice %arg4[%add3A_13, %dma_start3A_16] : memref<4096x1024xf32, #tpu.memory_space<hbm>> -> memref<32x1024xf32, #tpu.memory_space<hbm>>
    tpu.enqueue_dma source(%arg7 : memref<32x1024xf32, #tpu.memory_space<vmem>>) target(%dma_start3A_17 : memref<32x1024xf32, #tpu.memory_space<hbm>>) target_semaphore(%arg11 : memref<!tpu.dma_semaphore, #tpu.memory_space<semaphore_mem>>)
    %dma_wait3A_18 = arith.constant 0 : i32
    %dma_wait3A_19 = tpu.memref_slice %arg4[%add3A_13, %dma_wait3A_18] : memref<4096x1024xf32, #tpu.memory_space<hbm>> -> memref<32x1024xf32, #tpu.memory_space<hbm>>
    %dma_wait3A_20 = arith.constant 0 : i32
    %dma_wait3A_21 = tpu.memref_slice %arg4[%add3A_13, %dma_wait3A_20] : memref<4096x1024xf32, #tpu.memory_space<hbm>> -> memref<32x1024xf32, #tpu.memory_space<hbm>>
    tpu.wait_dma2 semaphore(%arg11 : memref<!tpu.dma_semaphore, #tpu.memory_space<semaphore_mem>>) src(%arg7 : memref<32x1024xf32, #tpu.memory_space<vmem>>) dst(%dma_wait3A_21 : memref<32x1024xf32, #tpu.memory_space<hbm>>)
    %add3A_22 = arith.constant 64 : i32
    %add3A_23 = arith.addi %mul3A_2, %add3A_22 : i32
    "tpu.region"() ({
      %run_scoped3A = tpu.sem_alloc : memref<!tpu.dma_semaphore, #tpu.memory_space<semaphore_mem>>
      %dma_start3A_71 = tpu.memref_slice %arg3[%add3A_23] : memref<4096xi32, #tpu.memory_space<hbm>> -> memref<32xi32, #tpu.memory_space<hbm>>
      %dma_start3A_72 = tpu.memref_slice %arg3[%add3A_23] : memref<4096xi32, #tpu.memory_space<hbm>> -> memref<32xi32, #tpu.memory_space<hbm>>
      tpu.enqueue_dma source(%dma_start3A_72 : memref<32xi32, #tpu.memory_space<hbm>>) target(%arg5 : memref<32xi32, #tpu.memory_space<vmem>>) target_semaphore(%run_scoped3A : memref<!tpu.dma_semaphore, #tpu.memory_space<semaphore_mem>>)
      %dma_wait3A_73 = tpu.memref_slice %arg3[%add3A_23] : memref<4096xi32, #tpu.memory_space<hbm>> -> memref<32xi32, #tpu.memory_space<hbm>>
      %dma_wait3A_74 = tpu.memref_slice %arg3[%add3A_23] : memref<4096xi32, #tpu.memory_space<hbm>> -> memref<32xi32, #tpu.memory_space<hbm>>
      tpu.wait_dma2 semaphore(%run_scoped3A : memref<!tpu.dma_semaphore, #tpu.memory_space<semaphore_mem>>) src(%dma_wait3A_74 : memref<32xi32, #tpu.memory_space<hbm>>) dst(%arg5 : memref<32xi32, #tpu.memory_space<vmem>>)
      tpu.yield
    }) : () -> ()
    %dma_start3A_24 = arith.constant 0 : i32
    %dma_start3A_25 = arith.constant 0 : i32
    %dma_start3A_26 = tpu.memref_slice %arg2[%dma_start3A_24, %dma_start3A_25] : memref<4096x1024xf32, #tpu.memory_space<hbm>> -> memref<4096x1024xf32, #tpu.memory_space<hbm>>
    tpu.enqueue_indirect_dma source(%dma_start3A_26 : memref<4096x1024xf32, #tpu.memory_space<hbm>>) target(%arg7 : memref<32x1024xf32, #tpu.memory_space<vmem>>) offsets(%arg5 : memref<32xi32, #tpu.memory_space<vmem>>) semaphore(%arg9 : memref<!tpu.dma_semaphore, #tpu.memory_space<semaphore_mem>>)
    %dma_wait3A_27 = arith.constant 0 : i32
    %dma_wait3A_28 = arith.constant 0 : i32
    %dma_wait3A_29 = tpu.memref_slice %arg2[%dma_wait3A_27, %dma_wait3A_28] : memref<4096x1024xf32, #tpu.memory_space<hbm>> -> memref<4096x1024xf32, #tpu.memory_space<hbm>>
    tpu.wait_indirect_dma semaphore(%arg10 : memref<!tpu.dma_semaphore, #tpu.memory_space<semaphore_mem>>) src(%dma_wait3A_29 : memref<4096x1024xf32, #tpu.memory_space<hbm>>) dst(%arg8 : memref<32x1024xf32, #tpu.memory_space<vmem>>)
    %add3A_30 = arith.constant 32 : i32
    %add3A_31 = arith.addi %mul3A_2, %add3A_30 : i32
    %dma_start3A_32 = arith.constant 0 : i32
    %dma_start3A_33 = tpu.memref_slice %arg4[%add3A_31, %dma_start3A_32] : memref<4096x1024xf32, #tpu.memory_space<hbm>> -> memref<32x1024xf32, #tpu.memory_space<hbm>>
    %dma_start3A_34 = arith.constant 0 : i32
    %dma_start3A_35 = tpu.memref_slice %arg4[%add3A_31, %dma_start3A_34] : memref<4096x1024xf32, #tpu.memory_space<hbm>> -> memref<32x1024xf32, #tpu.memory_space<hbm>>
    tpu.enqueue_dma source(%arg8 : memref<32x1024xf32, #tpu.memory_space<vmem>>) target(%dma_start3A_35 : memref<32x1024xf32, #tpu.memory_space<hbm>>) target_semaphore(%arg12 : memref<!tpu.dma_semaphore, #tpu.memory_space<semaphore_mem>>)
    %dma_wait3A_36 = arith.constant 0 : i32
    %dma_wait3A_37 = tpu.memref_slice %arg4[%add3A_31, %dma_wait3A_36] : memref<4096x1024xf32, #tpu.memory_space<hbm>> -> memref<32x1024xf32, #tpu.memory_space<hbm>>
    %dma_wait3A_38 = arith.constant 0 : i32
    %dma_wait3A_39 = tpu.memref_slice %arg4[%add3A_31, %dma_wait3A_38] : memref<4096x1024xf32, #tpu.memory_space<hbm>> -> memref<32x1024xf32, #tpu.memory_space<hbm>>
    tpu.wait_dma2 semaphore(%arg12 : memref<!tpu.dma_semaphore, #tpu.memory_space<semaphore_mem>>) src(%arg8 : memref<32x1024xf32, #tpu.memory_space<vmem>>) dst(%dma_wait3A_39 : memref<32x1024xf32, #tpu.memory_space<hbm>>)
    %add3A_40 = arith.constant 96 : i32
    %add3A_41 = arith.addi %mul3A_2, %add3A_40 : i32
    "tpu.region"() ({
      %run_scoped3A = tpu.sem_alloc : memref<!tpu.dma_semaphore, #tpu.memory_space<semaphore_mem>>
      %dma_start3A_71 = tpu.memref_slice %arg3[%add3A_41] : memref<4096xi32, #tpu.memory_space<hbm>> -> memref<32xi32, #tpu.memory_space<hbm>>
      %dma_start3A_72 = tpu.memref_slice %arg3[%add3A_41] : memref<4096xi32, #tpu.memory_space<hbm>> -> memref<32xi32, #tpu.memory_space<hbm>>
      tpu.enqueue_dma source(%dma_start3A_72 : memref<32xi32, #tpu.memory_space<hbm>>) target(%arg6 : memref<32xi32, #tpu.memory_space<vmem>>) target_semaphore(%run_scoped3A : memref<!tpu.dma_semaphore, #tpu.memory_space<semaphore_mem>>)
      %dma_wait3A_73 = tpu.memref_slice %arg3[%add3A_41] : memref<4096xi32, #tpu.memory_space<hbm>> -> memref<32xi32, #tpu.memory_space<hbm>>
      %dma_wait3A_74 = tpu.memref_slice %arg3[%add3A_41] : memref<4096xi32, #tpu.memory_space<hbm>> -> memref<32xi32, #tpu.memory_space<hbm>>
      tpu.wait_dma2 semaphore(%run_scoped3A : memref<!tpu.dma_semaphore, #tpu.memory_space<semaphore_mem>>) src(%dma_wait3A_74 : memref<32xi32, #tpu.memory_space<hbm>>) dst(%arg6 : memref<32xi32, #tpu.memory_space<vmem>>)
      tpu.yield
    }) : () -> ()
    %dma_start3A_42 = arith.constant 0 : i32
    %dma_start3A_43 = arith.constant 0 : i32
    %dma_start3A_44 = tpu.memref_slice %arg2[%dma_start3A_42, %dma_start3A_43] : memref<4096x1024xf32, #tpu.memory_space<hbm>> -> memref<4096x1024xf32, #tpu.memory_space<hbm>>
    tpu.enqueue_indirect_dma source(%dma_start3A_44 : memref<4096x1024xf32, #tpu.memory_space<hbm>>) target(%arg8 : memref<32x1024xf32, #tpu.memory_space<vmem>>) offsets(%arg6 : memref<32xi32, #tpu.memory_space<vmem>>) semaphore(%arg10 : memref<!tpu.dma_semaphore, #tpu.memory_space<semaphore_mem>>)
    %dma_wait3A_45 = arith.constant 0 : i32
    %dma_wait3A_46 = arith.constant 0 : i32
    %dma_wait3A_47 = tpu.memref_slice %arg2[%dma_wait3A_45, %dma_wait3A_46] : memref<4096x1024xf32, #tpu.memory_space<hbm>> -> memref<4096x1024xf32, #tpu.memory_space<hbm>>
    tpu.wait_indirect_dma semaphore(%arg9 : memref<!tpu.dma_semaphore, #tpu.memory_space<semaphore_mem>>) src(%dma_wait3A_47 : memref<4096x1024xf32, #tpu.memory_space<hbm>>) dst(%arg7 : memref<32x1024xf32, #tpu.memory_space<vmem>>)
    %add3A_48 = arith.constant 64 : i32
    %add3A_49 = arith.addi %mul3A_2, %add3A_48 : i32
    %dma_start3A_50 = arith.constant 0 : i32
    %dma_start3A_51 = tpu.memref_slice %arg4[%add3A_49, %dma_start3A_50] : memref<4096x1024xf32, #tpu.memory_space<hbm>> -> memref<32x1024xf32, #tpu.memory_space<hbm>>
    %dma_start3A_52 = arith.constant 0 : i32
    %dma_start3A_53 = tpu.memref_slice %arg4[%add3A_49, %dma_start3A_52] : memref<4096x1024xf32, #tpu.memory_space<hbm>> -> memref<32x1024xf32, #tpu.memory_space<hbm>>
    tpu.enqueue_dma source(%arg7 : memref<32x1024xf32, #tpu.memory_space<vmem>>) target(%dma_start3A_53 : memref<32x1024xf32, #tpu.memory_space<hbm>>) target_semaphore(%arg11 : memref<!tpu.dma_semaphore, #tpu.memory_space<semaphore_mem>>)
    %dma_wait3A_54 = arith.constant 0 : i32
    %dma_wait3A_55 = arith.constant 0 : i32
    %dma_wait3A_56 = tpu.memref_slice %arg2[%dma_wait3A_54, %dma_wait3A_55] : memref<4096x1024xf32, #tpu.memory_space<hbm>> -> memref<4096x1024xf32, #tpu.memory_space<hbm>>
    tpu.wait_indirect_dma semaphore(%arg10 : memref<!tpu.dma_semaphore, #tpu.memory_space<semaphore_mem>>) src(%dma_wait3A_56 : memref<4096x1024xf32, #tpu.memory_space<hbm>>) dst(%arg8 : memref<32x1024xf32, #tpu.memory_space<vmem>>)
    %add3A_57 = arith.constant 96 : i32
    %add3A_58 = arith.addi %mul3A_2, %add3A_57 : i32
    %dma_start3A_59 = arith.constant 0 : i32
    %dma_start3A_60 = tpu.memref_slice %arg4[%add3A_58, %dma_start3A_59] : memref<4096x1024xf32, #tpu.memory_space<hbm>> -> memref<32x1024xf32, #tpu.memory_space<hbm>>
    %dma_start3A_61 = arith.constant 0 : i32
    %dma_start3A_62 = tpu.memref_slice %arg4[%add3A_58, %dma_start3A_61] : memref<4096x1024xf32, #tpu.memory_space<hbm>> -> memref<32x1024xf32, #tpu.memory_space<hbm>>
    tpu.enqueue_dma source(%arg8 : memref<32x1024xf32, #tpu.memory_space<vmem>>) target(%dma_start3A_62 : memref<32x1024xf32, #tpu.memory_space<hbm>>) target_semaphore(%arg12 : memref<!tpu.dma_semaphore, #tpu.memory_space<semaphore_mem>>)
    %dma_wait3A_63 = arith.constant 0 : i32
    %dma_wait3A_64 = tpu.memref_slice %arg4[%add3A_49, %dma_wait3A_63] : memref<4096x1024xf32, #tpu.memory_space<hbm>> -> memref<32x1024xf32, #tpu.memory_space<hbm>>
    %dma_wait3A_65 = arith.constant 0 : i32
    %dma_wait3A_66 = tpu.memref_slice %arg4[%add3A_49, %dma_wait3A_65] : memref<4096x1024xf32, #tpu.memory_space<hbm>> -> memref<32x1024xf32, #tpu.memory_space<hbm>>
    tpu.wait_dma2 semaphore(%arg11 : memref<!tpu.dma_semaphore, #tpu.memory_space<semaphore_mem>>) src(%arg7 : memref<32x1024xf32, #tpu.memory_space<vmem>>) dst(%dma_wait3A_66 : memref<32x1024xf32, #tpu.memory_space<hbm>>)
    %dma_wait3A_67 = arith.constant 0 : i32
    %dma_wait3A_68 = tpu.memref_slice %arg4[%add3A_58, %dma_wait3A_67] : memref<4096x1024xf32, #tpu.memory_space<hbm>> -> memref<32x1024xf32, #tpu.memory_space<hbm>>
    %dma_wait3A_69 = arith.constant 0 : i32
    %dma_wait3A_70 = tpu.memref_slice %arg4[%add3A_58, %dma_wait3A_69] : memref<4096x1024xf32, #tpu.memory_space<hbm>> -> memref<32x1024xf32, #tpu.memory_space<hbm>>
    tpu.wait_dma2 semaphore(%arg12 : memref<!tpu.dma_semaphore, #tpu.memory_space<semaphore_mem>>) src(%arg8 : memref<32x1024xf32, #tpu.memory_space<vmem>>) dst(%dma_wait3A_70 : memref<32x1024xf32, #tpu.memory_space<hbm>>)
    return
  }
}

#map = affine_map<(d0, d1) -> (0, 0)>
#map1 = affine_map<(d0, d1) -> (0)>
module attributes {stable_mosaic.version = 14 : i64} {
  func.func @_sc_gather_body(%arg0: i32, %arg1: i32, %arg2: memref<2048x1024xf32, #tpu.memory_space<hbm>>, %arg3: memref<4096xi32, #tpu.memory_space<hbm>>, %arg4: memref<4096x1024xf32, #tpu.memory_space<hbm>>, %arg5: memref<32xi32, #tpu.memory_space<vmem>>, %arg6: memref<32xi32, #tpu.memory_space<vmem>>, %arg7: memref<32x1024xf32, #tpu.memory_space<vmem>>, %arg8: memref<32x1024xf32, #tpu.memory_space<vmem>>, %arg9: memref<!tpu.dma_semaphore, #tpu.memory_space<semaphore_mem>>, %arg10: memref<!tpu.dma_semaphore, #tpu.memory_space<semaphore_mem>>, %arg11: memref<!tpu.dma_semaphore, #tpu.memory_space<semaphore_mem>>, %arg12: memref<!tpu.dma_semaphore, #tpu.memory_space<semaphore_mem>>) attributes {dimension_semantics = [#tpu.dimension_semantics<core_parallel>, #tpu.dimension_semantics<subcore_parallel>], iteration_bounds = array<i64: 2, 16>, scalar_prefetch = 0 : i64, scratch_operands = 8 : i64, tpu.core_type = #tpu.core_type<sc_vector_subcore>, window_params = [{transform_indices = #map}, {transform_indices = #map1}, {transform_indices = #map}]} {
    %mul3A = arith.constant 2 : i32
    %mul3A_0 = arith.muli %arg1, %mul3A : i32
    %add3A = arith.addi %mul3A_0, %arg0 : i32
    %mul3A_1 = arith.constant 128 : i32
    %mul3A_2 = arith.muli %add3A, %mul3A_1 : i32
    "tpu.region"() ({
      %run_scoped3A = tpu.sem_alloc : memref<!tpu.dma_semaphore, #tpu.memory_space<semaphore_mem>>
      %dma_start3A_71 = tpu.memref_slice %arg3[%mul3A_2] : memref<4096xi32, #tpu.memory_space<hbm>> -> memref<32xi32, #tpu.memory_space<hbm>>
      %dma_start3A_72 = tpu.memref_slice %arg3[%mul3A_2] : memref<4096xi32, #tpu.memory_space<hbm>> -> memref<32xi32, #tpu.memory_space<hbm>>
      tpu.enqueue_dma source(%dma_start3A_72 : memref<32xi32, #tpu.memory_space<hbm>>) target(%arg5 : memref<32xi32, #tpu.memory_space<vmem>>) target_semaphore(%run_scoped3A : memref<!tpu.dma_semaphore, #tpu.memory_space<semaphore_mem>>)
      %dma_wait3A_73 = tpu.memref_slice %arg3[%mul3A_2] : memref<4096xi32, #tpu.memory_space<hbm>> -> memref<32xi32, #tpu.memory_space<hbm>>
      %dma_wait3A_74 = tpu.memref_slice %arg3[%mul3A_2] : memref<4096xi32, #tpu.memory_space<hbm>> -> memref<32xi32, #tpu.memory_space<hbm>>
      tpu.wait_dma2 semaphore(%run_scoped3A : memref<!tpu.dma_semaphore, #tpu.memory_space<semaphore_mem>>) src(%dma_wait3A_74 : memref<32xi32, #tpu.memory_space<hbm>>) dst(%arg5 : memref<32xi32, #tpu.memory_space<vmem>>)
      tpu.yield
    }) : () -> ()
    %dma_start3A = arith.constant 0 : i32
    %dma_start3A_3 = arith.constant 0 : i32
    %dma_start3A_4 = tpu.memref_slice %arg2[%dma_start3A, %dma_start3A_3] : memref<2048x1024xf32, #tpu.memory_space<hbm>> -> memref<2048x1024xf32, #tpu.memory_space<hbm>>
    tpu.enqueue_indirect_dma source(%dma_start3A_4 : memref<2048x1024xf32, #tpu.memory_space<hbm>>) target(%arg7 : memref<32x1024xf32, #tpu.memory_space<vmem>>) offsets(%arg5 : memref<32xi32, #tpu.memory_space<vmem>>) semaphore(%arg9 : memref<!tpu.dma_semaphore, #tpu.memory_space<semaphore_mem>>)
    %add3A_5 = arith.constant 32 : i32
    %add3A_6 = arith.addi %mul3A_2, %add3A_5 : i32
    "tpu.region"() ({
      %run_scoped3A = tpu.sem_alloc : memref<!tpu.dma_semaphore, #tpu.memory_space<semaphore_mem>>
      %dma_start3A_71 = tpu.memref_slice %arg3[%add3A_6] : memref<4096xi32, #tpu.memory_space<hbm>> -> memref<32xi32, #tpu.memory_space<hbm>>
      %dma_start3A_72 = tpu.memref_slice %arg3[%add3A_6] : memref<4096xi32, #tpu.memory_space<hbm>> -> memref<32xi32, #tpu.memory_space<hbm>>
      tpu.enqueue_dma source(%dma_start3A_72 : memref<32xi32, #tpu.memory_space<hbm>>) target(%arg6 : memref<32xi32, #tpu.memory_space<vmem>>) target_semaphore(%run_scoped3A : memref<!tpu.dma_semaphore, #tpu.memory_space<semaphore_mem>>)
      %dma_wait3A_73 = tpu.memref_slice %arg3[%add3A_6] : memref<4096xi32, #tpu.memory_space<hbm>> -> memref<32xi32, #tpu.memory_space<hbm>>
      %dma_wait3A_74 = tpu.memref_slice %arg3[%add3A_6] : memref<4096xi32, #tpu.memory_space<hbm>> -> memref<32xi32, #tpu.memory_space<hbm>>
      tpu.wait_dma2 semaphore(%run_scoped3A : memref<!tpu.dma_semaphore, #tpu.memory_space<semaphore_mem>>) src(%dma_wait3A_74 : memref<32xi32, #tpu.memory_space<hbm>>) dst(%arg6 : memref<32xi32, #tpu.memory_space<vmem>>)
      tpu.yield
    }) : () -> ()
    %dma_start3A_7 = arith.constant 0 : i32
    %dma_start3A_8 = arith.constant 0 : i32
    %dma_start3A_9 = tpu.memref_slice %arg2[%dma_start3A_7, %dma_start3A_8] : memref<2048x1024xf32, #tpu.memory_space<hbm>> -> memref<2048x1024xf32, #tpu.memory_space<hbm>>
    tpu.enqueue_indirect_dma source(%dma_start3A_9 : memref<2048x1024xf32, #tpu.memory_space<hbm>>) target(%arg8 : memref<32x1024xf32, #tpu.memory_space<vmem>>) offsets(%arg6 : memref<32xi32, #tpu.memory_space<vmem>>) semaphore(%arg10 : memref<!tpu.dma_semaphore, #tpu.memory_space<semaphore_mem>>)
    %dma_wait3A = arith.constant 0 : i32
    %dma_wait3A_10 = arith.constant 0 : i32
    %dma_wait3A_11 = tpu.memref_slice %arg2[%dma_wait3A, %dma_wait3A_10] : memref<2048x1024xf32, #tpu.memory_space<hbm>> -> memref<2048x1024xf32, #tpu.memory_space<hbm>>
    tpu.wait_indirect_dma semaphore(%arg9 : memref<!tpu.dma_semaphore, #tpu.memory_space<semaphore_mem>>) src(%dma_wait3A_11 : memref<2048x1024xf32, #tpu.memory_space<hbm>>) dst(%arg7 : memref<32x1024xf32, #tpu.memory_space<vmem>>)
    %add3A_12 = arith.constant 0 : i32
    %add3A_13 = arith.addi %mul3A_2, %add3A_12 : i32
    %dma_start3A_14 = arith.constant 0 : i32
    %dma_start3A_15 = tpu.memref_slice %arg4[%add3A_13, %dma_start3A_14] : memref<4096x1024xf32, #tpu.memory_space<hbm>> -> memref<32x1024xf32, #tpu.memory_space<hbm>>
    %dma_start3A_16 = arith.constant 0 : i32
    %dma_start3A_17 = tpu.memref_slice %arg4[%add3A_13, %dma_start3A_16] : memref<4096x1024xf32, #tpu.memory_space<hbm>> -> memref<32x1024xf32, #tpu.memory_space<hbm>>
    tpu.enqueue_dma source(%arg7 : memref<32x1024xf32, #tpu.memory_space<vmem>>) target(%dma_start3A_17 : memref<32x1024xf32, #tpu.memory_space<hbm>>) target_semaphore(%arg11 : memref<!tpu.dma_semaphore, #tpu.memory_space<semaphore_mem>>)
    %dma_wait3A_18 = arith.constant 0 : i32
    %dma_wait3A_19 = tpu.memref_slice %arg4[%add3A_13, %dma_wait3A_18] : memref<4096x1024xf32, #tpu.memory_space<hbm>> -> memref<32x1024xf32, #tpu.memory_space<hbm>>
    %dma_wait3A_20 = arith.constant 0 : i32
    %dma_wait3A_21 = tpu.memref_slice %arg4[%add3A_13, %dma_wait3A_20] : memref<4096x1024xf32, #tpu.memory_space<hbm>> -> memref<32x1024xf32, #tpu.memory_space<hbm>>
    tpu.wait_dma2 semaphore(%arg11 : memref<!tpu.dma_semaphore, #tpu.memory_space<semaphore_mem>>) src(%arg7 : memref<32x1024xf32, #tpu.memory_space<vmem>>) dst(%dma_wait3A_21 : memref<32x1024xf32, #tpu.memory_space<hbm>>)
    %add3A_22 = arith.constant 64 : i32
    %add3A_23 = arith.addi %mul3A_2, %add3A_22 : i32
    "tpu.region"() ({
      %run_scoped3A = tpu.sem_alloc : memref<!tpu.dma_semaphore, #tpu.memory_space<semaphore_mem>>
      %dma_start3A_71 = tpu.memref_slice %arg3[%add3A_23] : memref<4096xi32, #tpu.memory_space<hbm>> -> memref<32xi32, #tpu.memory_space<hbm>>
      %dma_start3A_72 = tpu.memref_slice %arg3[%add3A_23] : memref<4096xi32, #tpu.memory_space<hbm>> -> memref<32xi32, #tpu.memory_space<hbm>>
      tpu.enqueue_dma source(%dma_start3A_72 : memref<32xi32, #tpu.memory_space<hbm>>) target(%arg5 : memref<32xi32, #tpu.memory_space<vmem>>) target_semaphore(%run_scoped3A : memref<!tpu.dma_semaphore, #tpu.memory_space<semaphore_mem>>)
      %dma_wait3A_73 = tpu.memref_slice %arg3[%add3A_23] : memref<4096xi32, #tpu.memory_space<hbm>> -> memref<32xi32, #tpu.memory_space<hbm>>
      %dma_wait3A_74 = tpu.memref_slice %arg3[%add3A_23] : memref<4096xi32, #tpu.memory_space<hbm>> -> memref<32xi32, #tpu.memory_space<hbm>>
      tpu.wait_dma2 semaphore(%run_scoped3A : memref<!tpu.dma_semaphore, #tpu.memory_space<semaphore_mem>>) src(%dma_wait3A_74 : memref<32xi32, #tpu.memory_space<hbm>>) dst(%arg5 : memref<32xi32, #tpu.memory_space<vmem>>)
      tpu.yield
    }) : () -> ()
    %dma_start3A_24 = arith.constant 0 : i32
    %dma_start3A_25 = arith.constant 0 : i32
    %dma_start3A_26 = tpu.memref_slice %arg2[%dma_start3A_24, %dma_start3A_25] : memref<2048x1024xf32, #tpu.memory_space<hbm>> -> memref<2048x1024xf32, #tpu.memory_space<hbm>>
    tpu.enqueue_indirect_dma source(%dma_start3A_26 : memref<2048x1024xf32, #tpu.memory_space<hbm>>) target(%arg7 : memref<32x1024xf32, #tpu.memory_space<vmem>>) offsets(%arg5 : memref<32xi32, #tpu.memory_space<vmem>>) semaphore(%arg9 : memref<!tpu.dma_semaphore, #tpu.memory_space<semaphore_mem>>)
    %dma_wait3A_27 = arith.constant 0 : i32
    %dma_wait3A_28 = arith.constant 0 : i32
    %dma_wait3A_29 = tpu.memref_slice %arg2[%dma_wait3A_27, %dma_wait3A_28] : memref<2048x1024xf32, #tpu.memory_space<hbm>> -> memref<2048x1024xf32, #tpu.memory_space<hbm>>
    tpu.wait_indirect_dma semaphore(%arg10 : memref<!tpu.dma_semaphore, #tpu.memory_space<semaphore_mem>>) src(%dma_wait3A_29 : memref<2048x1024xf32, #tpu.memory_space<hbm>>) dst(%arg8 : memref<32x1024xf32, #tpu.memory_space<vmem>>)
    %add3A_30 = arith.constant 32 : i32
    %add3A_31 = arith.addi %mul3A_2, %add3A_30 : i32
    %dma_start3A_32 = arith.constant 0 : i32
    %dma_start3A_33 = tpu.memref_slice %arg4[%add3A_31, %dma_start3A_32] : memref<4096x1024xf32, #tpu.memory_space<hbm>> -> memref<32x1024xf32, #tpu.memory_space<hbm>>
    %dma_start3A_34 = arith.constant 0 : i32
    %dma_start3A_35 = tpu.memref_slice %arg4[%add3A_31, %dma_start3A_34] : memref<4096x1024xf32, #tpu.memory_space<hbm>> -> memref<32x1024xf32, #tpu.memory_space<hbm>>
    tpu.enqueue_dma source(%arg8 : memref<32x1024xf32, #tpu.memory_space<vmem>>) target(%dma_start3A_35 : memref<32x1024xf32, #tpu.memory_space<hbm>>) target_semaphore(%arg12 : memref<!tpu.dma_semaphore, #tpu.memory_space<semaphore_mem>>)
    %dma_wait3A_36 = arith.constant 0 : i32
    %dma_wait3A_37 = tpu.memref_slice %arg4[%add3A_31, %dma_wait3A_36] : memref<4096x1024xf32, #tpu.memory_space<hbm>> -> memref<32x1024xf32, #tpu.memory_space<hbm>>
    %dma_wait3A_38 = arith.constant 0 : i32
    %dma_wait3A_39 = tpu.memref_slice %arg4[%add3A_31, %dma_wait3A_38] : memref<4096x1024xf32, #tpu.memory_space<hbm>> -> memref<32x1024xf32, #tpu.memory_space<hbm>>
    tpu.wait_dma2 semaphore(%arg12 : memref<!tpu.dma_semaphore, #tpu.memory_space<semaphore_mem>>) src(%arg8 : memref<32x1024xf32, #tpu.memory_space<vmem>>) dst(%dma_wait3A_39 : memref<32x1024xf32, #tpu.memory_space<hbm>>)
    %add3A_40 = arith.constant 96 : i32
    %add3A_41 = arith.addi %mul3A_2, %add3A_40 : i32
    "tpu.region"() ({
      %run_scoped3A = tpu.sem_alloc : memref<!tpu.dma_semaphore, #tpu.memory_space<semaphore_mem>>
      %dma_start3A_71 = tpu.memref_slice %arg3[%add3A_41] : memref<4096xi32, #tpu.memory_space<hbm>> -> memref<32xi32, #tpu.memory_space<hbm>>
      %dma_start3A_72 = tpu.memref_slice %arg3[%add3A_41] : memref<4096xi32, #tpu.memory_space<hbm>> -> memref<32xi32, #tpu.memory_space<hbm>>
      tpu.enqueue_dma source(%dma_start3A_72 : memref<32xi32, #tpu.memory_space<hbm>>) target(%arg6 : memref<32xi32, #tpu.memory_space<vmem>>) target_semaphore(%run_scoped3A : memref<!tpu.dma_semaphore, #tpu.memory_space<semaphore_mem>>)
      %dma_wait3A_73 = tpu.memref_slice %arg3[%add3A_41] : memref<4096xi32, #tpu.memory_space<hbm>> -> memref<32xi32, #tpu.memory_space<hbm>>
      %dma_wait3A_74 = tpu.memref_slice %arg3[%add3A_41] : memref<4096xi32, #tpu.memory_space<hbm>> -> memref<32xi32, #tpu.memory_space<hbm>>
      tpu.wait_dma2 semaphore(%run_scoped3A : memref<!tpu.dma_semaphore, #tpu.memory_space<semaphore_mem>>) src(%dma_wait3A_74 : memref<32xi32, #tpu.memory_space<hbm>>) dst(%arg6 : memref<32xi32, #tpu.memory_space<vmem>>)
      tpu.yield
    }) : () -> ()
    %dma_start3A_42 = arith.constant 0 : i32
    %dma_start3A_43 = arith.constant 0 : i32
    %dma_start3A_44 = tpu.memref_slice %arg2[%dma_start3A_42, %dma_start3A_43] : memref<2048x1024xf32, #tpu.memory_space<hbm>> -> memref<2048x1024xf32, #tpu.memory_space<hbm>>
    tpu.enqueue_indirect_dma source(%dma_start3A_44 : memref<2048x1024xf32, #tpu.memory_space<hbm>>) target(%arg8 : memref<32x1024xf32, #tpu.memory_space<vmem>>) offsets(%arg6 : memref<32xi32, #tpu.memory_space<vmem>>) semaphore(%arg10 : memref<!tpu.dma_semaphore, #tpu.memory_space<semaphore_mem>>)
    %dma_wait3A_45 = arith.constant 0 : i32
    %dma_wait3A_46 = arith.constant 0 : i32
    %dma_wait3A_47 = tpu.memref_slice %arg2[%dma_wait3A_45, %dma_wait3A_46] : memref<2048x1024xf32, #tpu.memory_space<hbm>> -> memref<2048x1024xf32, #tpu.memory_space<hbm>>
    tpu.wait_indirect_dma semaphore(%arg9 : memref<!tpu.dma_semaphore, #tpu.memory_space<semaphore_mem>>) src(%dma_wait3A_47 : memref<2048x1024xf32, #tpu.memory_space<hbm>>) dst(%arg7 : memref<32x1024xf32, #tpu.memory_space<vmem>>)
    %add3A_48 = arith.constant 64 : i32
    %add3A_49 = arith.addi %mul3A_2, %add3A_48 : i32
    %dma_start3A_50 = arith.constant 0 : i32
    %dma_start3A_51 = tpu.memref_slice %arg4[%add3A_49, %dma_start3A_50] : memref<4096x1024xf32, #tpu.memory_space<hbm>> -> memref<32x1024xf32, #tpu.memory_space<hbm>>
    %dma_start3A_52 = arith.constant 0 : i32
    %dma_start3A_53 = tpu.memref_slice %arg4[%add3A_49, %dma_start3A_52] : memref<4096x1024xf32, #tpu.memory_space<hbm>> -> memref<32x1024xf32, #tpu.memory_space<hbm>>
    tpu.enqueue_dma source(%arg7 : memref<32x1024xf32, #tpu.memory_space<vmem>>) target(%dma_start3A_53 : memref<32x1024xf32, #tpu.memory_space<hbm>>) target_semaphore(%arg11 : memref<!tpu.dma_semaphore, #tpu.memory_space<semaphore_mem>>)
    %dma_wait3A_54 = arith.constant 0 : i32
    %dma_wait3A_55 = arith.constant 0 : i32
    %dma_wait3A_56 = tpu.memref_slice %arg2[%dma_wait3A_54, %dma_wait3A_55] : memref<2048x1024xf32, #tpu.memory_space<hbm>> -> memref<2048x1024xf32, #tpu.memory_space<hbm>>
    tpu.wait_indirect_dma semaphore(%arg10 : memref<!tpu.dma_semaphore, #tpu.memory_space<semaphore_mem>>) src(%dma_wait3A_56 : memref<2048x1024xf32, #tpu.memory_space<hbm>>) dst(%arg8 : memref<32x1024xf32, #tpu.memory_space<vmem>>)
    %add3A_57 = arith.constant 96 : i32
    %add3A_58 = arith.addi %mul3A_2, %add3A_57 : i32
    %dma_start3A_59 = arith.constant 0 : i32
    %dma_start3A_60 = tpu.memref_slice %arg4[%add3A_58, %dma_start3A_59] : memref<4096x1024xf32, #tpu.memory_space<hbm>> -> memref<32x1024xf32, #tpu.memory_space<hbm>>
    %dma_start3A_61 = arith.constant 0 : i32
    %dma_start3A_62 = tpu.memref_slice %arg4[%add3A_58, %dma_start3A_61] : memref<4096x1024xf32, #tpu.memory_space<hbm>> -> memref<32x1024xf32, #tpu.memory_space<hbm>>
    tpu.enqueue_dma source(%arg8 : memref<32x1024xf32, #tpu.memory_space<vmem>>) target(%dma_start3A_62 : memref<32x1024xf32, #tpu.memory_space<hbm>>) target_semaphore(%arg12 : memref<!tpu.dma_semaphore, #tpu.memory_space<semaphore_mem>>)
    %dma_wait3A_63 = arith.constant 0 : i32
    %dma_wait3A_64 = tpu.memref_slice %arg4[%add3A_49, %dma_wait3A_63] : memref<4096x1024xf32, #tpu.memory_space<hbm>> -> memref<32x1024xf32, #tpu.memory_space<hbm>>
    %dma_wait3A_65 = arith.constant 0 : i32
    %dma_wait3A_66 = tpu.memref_slice %arg4[%add3A_49, %dma_wait3A_65] : memref<4096x1024xf32, #tpu.memory_space<hbm>> -> memref<32x1024xf32, #tpu.memory_space<hbm>>
    tpu.wait_dma2 semaphore(%arg11 : memref<!tpu.dma_semaphore, #tpu.memory_space<semaphore_mem>>) src(%arg7 : memref<32x1024xf32, #tpu.memory_space<vmem>>) dst(%dma_wait3A_66 : memref<32x1024xf32, #tpu.memory_space<hbm>>)
    %dma_wait3A_67 = arith.constant 0 : i32
    %dma_wait3A_68 = tpu.memref_slice %arg4[%add3A_58, %dma_wait3A_67] : memref<4096x1024xf32, #tpu.memory_space<hbm>> -> memref<32x1024xf32, #tpu.memory_space<hbm>>
    %dma_wait3A_69 = arith.constant 0 : i32
    %dma_wait3A_70 = tpu.memref_slice %arg4[%add3A_58, %dma_wait3A_69] : memref<4096x1024xf32, #tpu.memory_space<hbm>> -> memref<32x1024xf32, #tpu.memory_space<hbm>>
    tpu.wait_dma2 semaphore(%arg12 : memref<!tpu.dma_semaphore, #tpu.memory_space<semaphore_mem>>) src(%arg8 : memref<32x1024xf32, #tpu.memory_space<vmem>>) dst(%dma_wait3A_70 : memref<32x1024xf32, #tpu.memory_space<hbm>>)
    return
  }
}

module attributes {stable_mosaic.version = 14 : i64} {
  func.func @_group_mlp_kernel(%arg0: i32, %arg1: memref<7x31xi32, #tpu.memory_space<smem>>, %arg2: memref<2xi32, #tpu.memory_space<smem>>, %arg3: memref<256x1024xf32, #tpu.memory_space<vmem>>, %arg4: memref<16x1024x1024xf32, #tpu.memory_space<any>>, %arg5: memref<16x1024x512xf32, #tpu.memory_space<any>>, %arg6: memref<256x1024xf32, #tpu.memory_space<vmem>>, %arg7: memref<3x1024x1024xf32, #tpu.memory_space<vmem>>, %arg8: memref<3x1024x512xf32, #tpu.memory_space<vmem>>, %arg9: memref<3x!tpu.dma_semaphore, #tpu.memory_space<semaphore_mem>>, %arg10: memref<3x!tpu.dma_semaphore, #tpu.memory_space<semaphore_mem>>) attributes {dimension_semantics = [#tpu.dimension_semantics<arbitrary>], iteration_bounds = array<i64: 31>, scalar_prefetch = 2 : i64, scratch_operands = 4 : i64, tpu.core_type = #tpu.core_type<tc>, window_params = [{transform_indices = @transform_0, window_bounds = array<i64: 256, 1024>}, {}, {}, {transform_indices = @transform_3, window_bounds = array<i64: 256, 1024>}]} {
    %get3A = arith.constant 1 : index
    %get3A_0 = arith.index_cast %arg0 : i32 to index
    %get3A_1 = memref.load %arg1[%get3A, %get3A_0] : memref<7x31xi32, #tpu.memory_space<smem>>
    %get3A_2 = arith.constant 2 : index
    %get3A_3 = arith.index_cast %arg0 : i32 to index
    %get3A_4 = memref.load %arg1[%get3A_2, %get3A_3] : memref<7x31xi32, #tpu.memory_space<smem>>
    %get3A_5 = arith.constant 3 : index
    %get3A_6 = arith.index_cast %arg0 : i32 to index
    %get3A_7 = memref.load %arg1[%get3A_5, %get3A_6] : memref<7x31xi32, #tpu.memory_space<smem>>
    %get3A_8 = arith.constant 4 : index
    %get3A_9 = arith.index_cast %arg0 : i32 to index
    %get3A_10 = memref.load %arg1[%get3A_8, %get3A_9] : memref<7x31xi32, #tpu.memory_space<smem>>
    %get3A_11 = arith.constant 5 : index
    %get3A_12 = arith.index_cast %arg0 : i32 to index
    %get3A_13 = memref.load %arg1[%get3A_11, %get3A_12] : memref<7x31xi32, #tpu.memory_space<smem>>
    %get3A_14 = arith.constant 6 : index
    %get3A_15 = arith.index_cast %arg0 : i32 to index
    %get3A_16 = memref.load %arg1[%get3A_14, %get3A_15] : memref<7x31xi32, #tpu.memory_space<smem>>
    %eq3A = arith.constant 0 : i32
    %eq3A_17 = arith.cmpi eq, %arg0, %eq3A : i32
    %convert_element_type3A = arith.extui %eq3A_17 : i1 to i32
    %cond3A = arith.constant 0 : i32
    %cond3A_18 = arith.cmpi ne, %convert_element_type3A, %cond3A : i32
    scf.if %cond3A_18 {
      %get3A_27 = arith.constant 0 : index
      %get3A_28 = memref.load %arg2[%get3A_27] : memref<2xi32, #tpu.memory_space<smem>>
      %dma_start3A = arith.constant 0 : i32
      %dma_start3A_29 = arith.constant 0 : i32
      %dma_start3A_30 = tpu.memref_slice %arg9[%dma_start3A_29] : memref<3x!tpu.dma_semaphore, #tpu.memory_space<semaphore_mem>> -> memref<1x!tpu.dma_semaphore, #tpu.memory_space<semaphore_mem>>
      %dma_start3A_31 = tpu.memref_squeeze %dma_start3A_30 : memref<1x!tpu.dma_semaphore, #tpu.memory_space<semaphore_mem>> -> memref<!tpu.dma_semaphore, #tpu.memory_space<semaphore_mem>>
      %dma_start3A_32 = arith.constant 0 : i32
      %dma_start3A_33 = arith.constant 0 : i32
      %dma_start3A_34 = tpu.memref_slice %arg7[%dma_start3A, %dma_start3A_32, %dma_start3A_33] : memref<3x1024x1024xf32, #tpu.memory_space<vmem>> -> memref<1x1024x1024xf32, #tpu.memory_space<vmem>>
      %dma_start3A_35 = tpu.memref_squeeze %dma_start3A_34 : memref<1x1024x1024xf32, #tpu.memory_space<vmem>> -> memref<1024x1024xf32, #tpu.memory_space<vmem>>
      %dma_start3A_36 = arith.constant 0 : i32
      %dma_start3A_37 = arith.constant 0 : i32
      %dma_start3A_38 = tpu.memref_slice %arg4[%get3A_28, %dma_start3A_36, %dma_start3A_37] : memref<16x1024x1024xf32, #tpu.memory_space<any>> -> memref<1x1024x1024xf32, #tpu.memory_space<any>>
      %dma_start3A_39 = tpu.memref_squeeze %dma_start3A_38 : memref<1x1024x1024xf32, #tpu.memory_space<any>> -> memref<1024x1024xf32, #tpu.memory_space<any>>
      tpu.enqueue_dma source(%dma_start3A_39 : memref<1024x1024xf32, #tpu.memory_space<any>>) target(%dma_start3A_35 : memref<1024x1024xf32, #tpu.memory_space<vmem>>) target_semaphore(%dma_start3A_31 : memref<!tpu.dma_semaphore, #tpu.memory_space<semaphore_mem>>)
      %dma_start3A_40 = arith.constant 0 : i32
      %dma_start3A_41 = arith.constant 0 : i32
      %dma_start3A_42 = tpu.memref_slice %arg10[%dma_start3A_41] : memref<3x!tpu.dma_semaphore, #tpu.memory_space<semaphore_mem>> -> memref<1x!tpu.dma_semaphore, #tpu.memory_space<semaphore_mem>>
      %dma_start3A_43 = tpu.memref_squeeze %dma_start3A_42 : memref<1x!tpu.dma_semaphore, #tpu.memory_space<semaphore_mem>> -> memref<!tpu.dma_semaphore, #tpu.memory_space<semaphore_mem>>
      %dma_start3A_44 = arith.constant 0 : i32
      %dma_start3A_45 = arith.constant 0 : i32
      %dma_start3A_46 = tpu.memref_slice %arg8[%dma_start3A_40, %dma_start3A_44, %dma_start3A_45] : memref<3x1024x512xf32, #tpu.memory_space<vmem>> -> memref<1x1024x512xf32, #tpu.memory_space<vmem>>
      %dma_start3A_47 = tpu.memref_squeeze %dma_start3A_46 : memref<1x1024x512xf32, #tpu.memory_space<vmem>> -> memref<1024x512xf32, #tpu.memory_space<vmem>>
      %dma_start3A_48 = arith.constant 0 : i32
      %dma_start3A_49 = arith.constant 0 : i32
      %dma_start3A_50 = tpu.memref_slice %arg5[%get3A_28, %dma_start3A_48, %dma_start3A_49] : memref<16x1024x512xf32, #tpu.memory_space<any>> -> memref<1x1024x512xf32, #tpu.memory_space<any>>
      %dma_start3A_51 = tpu.memref_squeeze %dma_start3A_50 : memref<1x1024x512xf32, #tpu.memory_space<any>> -> memref<1024x512xf32, #tpu.memory_space<any>>
      tpu.enqueue_dma source(%dma_start3A_51 : memref<1024x512xf32, #tpu.memory_space<any>>) target(%dma_start3A_47 : memref<1024x512xf32, #tpu.memory_space<vmem>>) target_semaphore(%dma_start3A_43 : memref<!tpu.dma_semaphore, #tpu.memory_space<semaphore_mem>>)
      %get3A_52 = arith.constant 1 : index
      %get3A_53 = memref.load %arg2[%get3A_52] : memref<2xi32, #tpu.memory_space<smem>>
      %ge3A = arith.constant 0 : i32
      %ge3A_54 = arith.cmpi sge, %get3A_53, %ge3A : i32
      %convert_element_type3A_55 = arith.extui %ge3A_54 : i1 to i32
      %cond3A_56 = arith.constant 0 : i32
      %cond3A_57 = arith.cmpi ne, %convert_element_type3A_55, %cond3A_56 : i32
      scf.if %cond3A_57 {
        %get3A_58 = arith.constant 1 : index
        %get3A_59 = memref.load %arg2[%get3A_58] : memref<2xi32, #tpu.memory_space<smem>>
        %dma_start3A_60 = arith.constant 1 : i32
        %dma_start3A_61 = arith.constant 1 : i32
        %dma_start3A_62 = tpu.memref_slice %arg9[%dma_start3A_61] : memref<3x!tpu.dma_semaphore, #tpu.memory_space<semaphore_mem>> -> memref<1x!tpu.dma_semaphore, #tpu.memory_space<semaphore_mem>>
        %dma_start3A_63 = tpu.memref_squeeze %dma_start3A_62 : memref<1x!tpu.dma_semaphore, #tpu.memory_space<semaphore_mem>> -> memref<!tpu.dma_semaphore, #tpu.memory_space<semaphore_mem>>
        %dma_start3A_64 = arith.constant 0 : i32
        %dma_start3A_65 = arith.constant 0 : i32
        %dma_start3A_66 = tpu.memref_slice %arg7[%dma_start3A_60, %dma_start3A_64, %dma_start3A_65] : memref<3x1024x1024xf32, #tpu.memory_space<vmem>> -> memref<1x1024x1024xf32, #tpu.memory_space<vmem>>
        %dma_start3A_67 = tpu.memref_squeeze %dma_start3A_66 : memref<1x1024x1024xf32, #tpu.memory_space<vmem>> -> memref<1024x1024xf32, #tpu.memory_space<vmem>>
        %dma_start3A_68 = arith.constant 0 : i32
        %dma_start3A_69 = arith.constant 0 : i32
        %dma_start3A_70 = tpu.memref_slice %arg4[%get3A_59, %dma_start3A_68, %dma_start3A_69] : memref<16x1024x1024xf32, #tpu.memory_space<any>> -> memref<1x1024x1024xf32, #tpu.memory_space<any>>
        %dma_start3A_71 = tpu.memref_squeeze %dma_start3A_70 : memref<1x1024x1024xf32, #tpu.memory_space<any>> -> memref<1024x1024xf32, #tpu.memory_space<any>>
        tpu.enqueue_dma source(%dma_start3A_71 : memref<1024x1024xf32, #tpu.memory_space<any>>) target(%dma_start3A_67 : memref<1024x1024xf32, #tpu.memory_space<vmem>>) target_semaphore(%dma_start3A_63 : memref<!tpu.dma_semaphore, #tpu.memory_space<semaphore_mem>>)
        %dma_start3A_72 = arith.constant 1 : i32
        %dma_start3A_73 = arith.constant 1 : i32
        %dma_start3A_74 = tpu.memref_slice %arg10[%dma_start3A_73] : memref<3x!tpu.dma_semaphore, #tpu.memory_space<semaphore_mem>> -> memref<1x!tpu.dma_semaphore, #tpu.memory_space<semaphore_mem>>
        %dma_start3A_75 = tpu.memref_squeeze %dma_start3A_74 : memref<1x!tpu.dma_semaphore, #tpu.memory_space<semaphore_mem>> -> memref<!tpu.dma_semaphore, #tpu.memory_space<semaphore_mem>>
        %dma_start3A_76 = arith.constant 0 : i32
        %dma_start3A_77 = arith.constant 0 : i32
        %dma_start3A_78 = tpu.memref_slice %arg8[%dma_start3A_72, %dma_start3A_76, %dma_start3A_77] : memref<3x1024x512xf32, #tpu.memory_space<vmem>> -> memref<1x1024x512xf32, #tpu.memory_space<vmem>>
        %dma_start3A_79 = tpu.memref_squeeze %dma_start3A_78 : memref<1x1024x512xf32, #tpu.memory_space<vmem>> -> memref<1024x512xf32, #tpu.memory_space<vmem>>
        %dma_start3A_80 = arith.constant 0 : i32
        %dma_start3A_81 = arith.constant 0 : i32
        %dma_start3A_82 = tpu.memref_slice %arg5[%get3A_59, %dma_start3A_80, %dma_start3A_81] : memref<16x1024x512xf32, #tpu.memory_space<any>> -> memref<1x1024x512xf32, #tpu.memory_space<any>>
        %dma_start3A_83 = tpu.memref_squeeze %dma_start3A_82 : memref<1x1024x512xf32, #tpu.memory_space<any>> -> memref<1024x512xf32, #tpu.memory_space<any>>
        tpu.enqueue_dma source(%dma_start3A_83 : memref<1024x512xf32, #tpu.memory_space<any>>) target(%dma_start3A_79 : memref<1024x512xf32, #tpu.memory_space<vmem>>) target_semaphore(%dma_start3A_75 : memref<!tpu.dma_semaphore, #tpu.memory_space<semaphore_mem>>)
      } else {
      }
    } else {
    }
    %eq3A_19 = arith.constant 1 : i32
    %eq3A_20 = arith.cmpi eq, %get3A_7, %eq3A_19 : i32
    %convert_element_type3A_21 = arith.extui %eq3A_20 : i1 to i32
    %cond3A_22 = arith.constant 0 : i32
    %cond3A_23 = arith.cmpi ne, %convert_element_type3A_21, %cond3A_22 : i32
    scf.if %cond3A_23 {
      %ge3A = arith.constant 0 : i32
      %ge3A_27 = arith.cmpi sge, %get3A_13, %ge3A : i32
      %convert_element_type3A_28 = arith.extui %ge3A_27 : i1 to i32
      %cond3A_29 = arith.constant 0 : i32
      %cond3A_30 = arith.cmpi ne, %convert_element_type3A_28, %cond3A_29 : i32
      scf.if %cond3A_30 {
        %dma_start3A = tpu.memref_slice %arg9[%get3A_16] : memref<3x!tpu.dma_semaphore, #tpu.memory_space<semaphore_mem>> -> memref<1x!tpu.dma_semaphore, #tpu.memory_space<semaphore_mem>>
        %dma_start3A_52 = tpu.memref_squeeze %dma_start3A : memref<1x!tpu.dma_semaphore, #tpu.memory_space<semaphore_mem>> -> memref<!tpu.dma_semaphore, #tpu.memory_space<semaphore_mem>>
        %dma_start3A_53 = arith.constant 0 : i32
        %dma_start3A_54 = arith.constant 0 : i32
        %dma_start3A_55 = tpu.memref_slice %arg7[%get3A_16, %dma_start3A_53, %dma_start3A_54] : memref<3x1024x1024xf32, #tpu.memory_space<vmem>> -> memref<1x1024x1024xf32, #tpu.memory_space<vmem>>
        %dma_start3A_56 = tpu.memref_squeeze %dma_start3A_55 : memref<1x1024x1024xf32, #tpu.memory_space<vmem>> -> memref<1024x1024xf32, #tpu.memory_space<vmem>>
        %dma_start3A_57 = arith.constant 0 : i32
        %dma_start3A_58 = arith.constant 0 : i32
        %dma_start3A_59 = tpu.memref_slice %arg4[%get3A_13, %dma_start3A_57, %dma_start3A_58] : memref<16x1024x1024xf32, #tpu.memory_space<any>> -> memref<1x1024x1024xf32, #tpu.memory_space<any>>
        %dma_start3A_60 = tpu.memref_squeeze %dma_start3A_59 : memref<1x1024x1024xf32, #tpu.memory_space<any>> -> memref<1024x1024xf32, #tpu.memory_space<any>>
        tpu.enqueue_dma source(%dma_start3A_60 : memref<1024x1024xf32, #tpu.memory_space<any>>) target(%dma_start3A_56 : memref<1024x1024xf32, #tpu.memory_space<vmem>>) target_semaphore(%dma_start3A_52 : memref<!tpu.dma_semaphore, #tpu.memory_space<semaphore_mem>>)
        %dma_start3A_61 = tpu.memref_slice %arg10[%get3A_16] : memref<3x!tpu.dma_semaphore, #tpu.memory_space<semaphore_mem>> -> memref<1x!tpu.dma_semaphore, #tpu.memory_space<semaphore_mem>>
        %dma_start3A_62 = tpu.memref_squeeze %dma_start3A_61 : memref<1x!tpu.dma_semaphore, #tpu.memory_space<semaphore_mem>> -> memref<!tpu.dma_semaphore, #tpu.memory_space<semaphore_mem>>
        %dma_start3A_63 = arith.constant 0 : i32
        %dma_start3A_64 = arith.constant 0 : i32
        %dma_start3A_65 = tpu.memref_slice %arg8[%get3A_16, %dma_start3A_63, %dma_start3A_64] : memref<3x1024x512xf32, #tpu.memory_space<vmem>> -> memref<1x1024x512xf32, #tpu.memory_space<vmem>>
        %dma_start3A_66 = tpu.memref_squeeze %dma_start3A_65 : memref<1x1024x512xf32, #tpu.memory_space<vmem>> -> memref<1024x512xf32, #tpu.memory_space<vmem>>
        %dma_start3A_67 = arith.constant 0 : i32
        %dma_start3A_68 = arith.constant 0 : i32
        %dma_start3A_69 = tpu.memref_slice %arg5[%get3A_13, %dma_start3A_67, %dma_start3A_68] : memref<16x1024x512xf32, #tpu.memory_space<any>> -> memref<1x1024x512xf32, #tpu.memory_space<any>>
        %dma_start3A_70 = tpu.memref_squeeze %dma_start3A_69 : memref<1x1024x512xf32, #tpu.memory_space<any>> -> memref<1024x512xf32, #tpu.memory_space<any>>
        tpu.enqueue_dma source(%dma_start3A_70 : memref<1024x512xf32, #tpu.memory_space<any>>) target(%dma_start3A_66 : memref<1024x512xf32, #tpu.memory_space<vmem>>) target_semaphore(%dma_start3A_62 : memref<!tpu.dma_semaphore, #tpu.memory_space<semaphore_mem>>)
      } else {
      }
      %dma_wait3A = arith.constant 0 : i32
      %dma_wait3A_31 = tpu.memref_slice %arg9[%get3A_10] : memref<3x!tpu.dma_semaphore, #tpu.memory_space<semaphore_mem>> -> memref<1x!tpu.dma_semaphore, #tpu.memory_space<semaphore_mem>>
      %dma_wait3A_32 = tpu.memref_squeeze %dma_wait3A_31 : memref<1x!tpu.dma_semaphore, #tpu.memory_space<semaphore_mem>> -> memref<!tpu.dma_semaphore, #tpu.memory_space<semaphore_mem>>
      %dma_wait3A_33 = arith.constant 0 : i32
      %dma_wait3A_34 = arith.constant 0 : i32
      %dma_wait3A_35 = tpu.memref_slice %arg7[%get3A_10, %dma_wait3A_33, %dma_wait3A_34] : memref<3x1024x1024xf32, #tpu.memory_space<vmem>> -> memref<1x1024x1024xf32, #tpu.memory_space<vmem>>
      %dma_wait3A_36 = tpu.memref_squeeze %dma_wait3A_35 : memref<1x1024x1024xf32, #tpu.memory_space<vmem>> -> memref<1024x1024xf32, #tpu.memory_space<vmem>>
      %dma_wait3A_37 = arith.constant 0 : i32
      %dma_wait3A_38 = arith.constant 0 : i32
      %dma_wait3A_39 = tpu.memref_slice %arg4[%dma_wait3A, %dma_wait3A_37, %dma_wait3A_38] : memref<16x1024x1024xf32, #tpu.memory_space<any>> -> memref<1x1024x1024xf32, #tpu.memory_space<any>>
      %dma_wait3A_40 = tpu.memref_squeeze %dma_wait3A_39 : memref<1x1024x1024xf32, #tpu.memory_space<any>> -> memref<1024x1024xf32, #tpu.memory_space<any>>
      tpu.wait_dma2 semaphore(%dma_wait3A_32 : memref<!tpu.dma_semaphore, #tpu.memory_space<semaphore_mem>>) src(%dma_wait3A_40 : memref<1024x1024xf32, #tpu.memory_space<any>>) dst(%dma_wait3A_36 : memref<1024x1024xf32, #tpu.memory_space<vmem>>)
      %dma_wait3A_41 = arith.constant 0 : i32
      %dma_wait3A_42 = tpu.memref_slice %arg10[%get3A_10] : memref<3x!tpu.dma_semaphore, #tpu.memory_space<semaphore_mem>> -> memref<1x!tpu.dma_semaphore, #tpu.memory_space<semaphore_mem>>
      %dma_wait3A_43 = tpu.memref_squeeze %dma_wait3A_42 : memref<1x!tpu.dma_semaphore, #tpu.memory_space<semaphore_mem>> -> memref<!tpu.dma_semaphore, #tpu.memory_space<semaphore_mem>>
      %dma_wait3A_44 = arith.constant 0 : i32
      %dma_wait3A_45 = arith.constant 0 : i32
      %dma_wait3A_46 = tpu.memref_slice %arg8[%get3A_10, %dma_wait3A_44, %dma_wait3A_45] : memref<3x1024x512xf32, #tpu.memory_space<vmem>> -> memref<1x1024x512xf32, #tpu.memory_space<vmem>>
      %dma_wait3A_47 = tpu.memref_squeeze %dma_wait3A_46 : memref<1x1024x512xf32, #tpu.memory_space<vmem>> -> memref<1024x512xf32, #tpu.memory_space<vmem>>
      %dma_wait3A_48 = arith.constant 0 : i32
      %dma_wait3A_49 = arith.constant 0 : i32
      %dma_wait3A_50 = tpu.memref_slice %arg5[%dma_wait3A_41, %dma_wait3A_48, %dma_wait3A_49] : memref<16x1024x512xf32, #tpu.memory_space<any>> -> memref<1x1024x512xf32, #tpu.memory_space<any>>
      %dma_wait3A_51 = tpu.memref_squeeze %dma_wait3A_50 : memref<1x1024x512xf32, #tpu.memory_space<any>> -> memref<1024x512xf32, #tpu.memory_space<any>>
      tpu.wait_dma2 semaphore(%dma_wait3A_43 : memref<!tpu.dma_semaphore, #tpu.memory_space<semaphore_mem>>) src(%dma_wait3A_51 : memref<1024x512xf32, #tpu.memory_space<any>>) dst(%dma_wait3A_47 : memref<1024x512xf32, #tpu.memory_space<vmem>>)
    } else {
    }
    %gt3A = arith.cmpi sgt, %get3A_4, %get3A_1 : i32
    %convert_element_type3A_24 = arith.extui %gt3A : i1 to i32
    %cond3A_25 = arith.constant 0 : i32
    %cond3A_26 = arith.cmpi ne, %convert_element_type3A_24, %cond3A_25 : i32
    scf.if %cond3A_26 {
      %get3A_27 = arith.constant 0 : index
      %get3A_28 = arith.constant 0 : index
      %get3A_29 = vector.load %arg3[%get3A_27, %get3A_28] : memref<256x1024xf32, #tpu.memory_space<vmem>>, vector<256x1024xf32>
      %get3A_30 = arith.index_cast %get3A_10 : i32 to index
      %get3A_31 = arith.constant 0 : index
      %get3A_32 = arith.constant 0 : index
      %get3A_33 = vector.load %arg7[%get3A_30, %get3A_31, %get3A_32] : memref<3x1024x1024xf32, #tpu.memory_space<vmem>>, vector<1x1024x1024xf32>
      %get3A_34 = vector.shape_cast %get3A_33 : vector<1x1024x1024xf32> to vector<1024x1024xf32>
      %dot_general3A = arith.constant dense<0.000000e+00> : vector<256x1024xf32>
      %dot_general3A_35 = tpu.matmul %get3A_29, %get3A_34, %dot_general3A {dimension_numbers = #tpu.dot_dimension_numbers<[1], [1], [0], [0], [0, 0, 1, 0], [], []>, transpose_lhs_hint = false} : vector<256x1024xf32>, vector<1024x1024xf32>, vector<256x1024xf32> -> vector<256x1024xf32>
      %slice3A = vector.extract_strided_slice %dot_general3A_35 {offsets = [0, 0], sizes = [256, 512], strides = [1, 1]} : vector<256x1024xf32> to vector<256x512xf32>
      %slice3A_36 = vector.extract_strided_slice %dot_general3A_35 {offsets = [0, 512], sizes = [256, 512], strides = [1, 1]} : vector<256x1024xf32> to vector<256x512xf32>
      %logistic3A = arith.negf %slice3A : vector<256x512xf32>
      %logistic3A_37 = math.exp %logistic3A : vector<256x512xf32>
      %logistic3A_38 = arith.constant 1.000000e+00 : f32
      %logistic3A_39 = vector.broadcast %logistic3A_38 : f32 to vector<256x512xf32>
      %logistic3A_40 = arith.addf %logistic3A_39, %logistic3A_37 : vector<256x512xf32>
      %logistic3A_41 = arith.divf %logistic3A_39, %logistic3A_40 : vector<256x512xf32>
      %mul3A = arith.mulf %slice3A, %logistic3A_41 : vector<256x512xf32>
      %mul3A_42 = arith.mulf %mul3A, %slice3A_36 : vector<256x512xf32>
      %iota3A = tpu.iota {dimensions = array<i32: 0>} : vector<256x1xi32>
      %ge3A = vector.broadcast %get3A_1 : i32 to vector<256x1xi32>
      %ge3A_43 = arith.cmpi sge, %iota3A, %ge3A : vector<256x1xi32>
      %lt3A = vector.broadcast %get3A_4 : i32 to vector<256x1xi32>
      %lt3A_44 = arith.cmpi slt, %iota3A, %lt3A : vector<256x1xi32>
      %and3A = arith.andi %ge3A_43, %lt3A_44 : vector<256x1xi1>
      %convert_element_type3A_45 = arith.extui %and3A : vector<256x1xi1> to vector<256x1xi32>
      %convert_element_type3A_46 = arith.sitofp %convert_element_type3A_45 : vector<256x1xi32> to vector<256x1xf32>
      %mul3A_47 = vector.broadcast %convert_element_type3A_46 : vector<256x1xf32> to vector<256x512xf32>
      %mul3A_48 = arith.mulf %mul3A_42, %mul3A_47 : vector<256x512xf32>
      %get3A_49 = arith.index_cast %get3A_10 : i32 to index
      %get3A_50 = arith.constant 0 : index
      %get3A_51 = arith.constant 0 : index
      %get3A_52 = vector.load %arg8[%get3A_49, %get3A_50, %get3A_51] : memref<3x1024x512xf32, #tpu.memory_space<vmem>>, vector<1x1024x512xf32>
      %get3A_53 = vector.shape_cast %get3A_52 : vector<1x1024x512xf32> to vector<1024x512xf32>
      %dot_general3A_54 = arith.constant dense<0.000000e+00> : vector<256x1024xf32>
      %dot_general3A_55 = tpu.matmul %mul3A_48, %get3A_53, %dot_general3A_54 {dimension_numbers = #tpu.dot_dimension_numbers<[1], [1], [0], [0], [0, 0, 1, 0], [], []>, transpose_lhs_hint = false} : vector<256x512xf32>, vector<1024x512xf32>, vector<256x1024xf32> -> vector<256x1024xf32>
      %eq3A_56 = arith.constant 0 : i32
      %eq3A_57 = arith.cmpi eq, %get3A_1, %eq3A_56 : i32
      %convert_element_type3A_58 = arith.extui %eq3A_57 : i1 to i32
      %cond3A_59 = arith.constant 0 : i32
      %cond3A_60 = arith.cmpi ne, %convert_element_type3A_58, %cond3A_59 : i32
      scf.if %cond3A_60 {
        %swap3A = arith.constant 0 : index
        %swap3A_66 = arith.constant 0 : index
        %swap3A_67 = vector.load %arg6[%swap3A, %swap3A_66] : memref<256x1024xf32, #tpu.memory_space<vmem>>, vector<256x1024xf32>
        tpu.vector_store %arg6[%swap3A, %swap3A_66], %dot_general3A_55 {strides = array<i32>} : memref<256x1024xf32, #tpu.memory_space<vmem>>, vector<256x1024xf32>,
      } else {
      }
      %gt3A_61 = arith.constant 0 : i32
      %gt3A_62 = arith.cmpi sgt, %get3A_1, %gt3A_61 : i32
      %convert_element_type3A_63 = arith.extui %gt3A_62 : i1 to i32
      %cond3A_64 = arith.constant 0 : i32
      %cond3A_65 = arith.cmpi ne, %convert_element_type3A_63, %cond3A_64 : i32
      scf.if %cond3A_65 {
        %get3A_66 = arith.constant 0 : index
        %get3A_67 = arith.constant 0 : index
        %get3A_68 = vector.load %arg6[%get3A_66, %get3A_67] : memref<256x1024xf32, #tpu.memory_space<vmem>>, vector<256x1024xf32>
        %add3A = arith.addf %get3A_68, %dot_general3A_55 : vector<256x1024xf32>
        %swap3A = arith.constant 0 : index
        %swap3A_69 = arith.constant 0 : index
        %swap3A_70 = vector.load %arg6[%swap3A, %swap3A_69] : memref<256x1024xf32, #tpu.memory_space<vmem>>, vector<256x1024xf32>
        tpu.vector_store %arg6[%swap3A, %swap3A_69], %add3A {strides = array<i32>} : memref<256x1024xf32, #tpu.memory_space<vmem>>, vector<256x1024xf32>,
      } else {
      }
    } else {
    }
    return
  }
  func.func @transform_0(%arg0: i32, %arg1: memref<7x31xi32, #tpu.memory_space<smem>>, %arg2: memref<2xi32, #tpu.memory_space<smem>>) -> (i32, i32) {
    %get3A = arith.constant 0 : index
    %get3A_0 = arith.index_cast %arg0 : i32 to index
    %get3A_1 = memref.load %arg1[%get3A, %get3A_0] : memref<7x31xi32, #tpu.memory_space<smem>>
    %c0_i32 = arith.constant 0 : i32
    %c0_i32_2 = arith.constant 0 : i32
    return %get3A_1, %c0_i32 : i32, i32
  }
  func.func @transform_3(%arg0: i32, %arg1: memref<7x31xi32, #tpu.memory_space<smem>>, %arg2: memref<2xi32, #tpu.memory_space<smem>>) -> (i32, i32) {
    %get3A = arith.constant 0 : index
    %get3A_0 = arith.index_cast %arg0 : i32 to index
    %get3A_1 = memref.load %arg1[%get3A, %get3A_0] : memref<7x31xi32, #tpu.memory_space<smem>>
    %c0_i32 = arith.constant 0 : i32
    %c0_i32_2 = arith.constant 0 : i32
    return %get3A_1, %c0_i32 : i32, i32
  }
}

module attributes {stable_mosaic.version = 14 : i64} {
  func.func @_pair_sum_kernel(%arg0: i32, %arg1: memref<2048x2xf32, #tpu.memory_space<vmem>>, %arg2: memref<512x2048xf32, #tpu.memory_space<vmem>>, %arg3: memref<512x1024xf32, #tpu.memory_space<vmem>>) attributes {dimension_semantics = [#tpu.dimension_semantics<arbitrary>], iteration_bounds = array<i64: 4>, scalar_prefetch = 0 : i64, scratch_operands = 0 : i64, tpu.core_type = #tpu.core_type<tc>, window_params = [{pipeline_mode = #tpu.pipeline_mode<synchronous>, transform_indices = @transform_0, window_bounds = array<i64: 2048, 2>}, {transform_indices = @transform_1, window_bounds = array<i64: 512, 2048>}, {transform_indices = @transform_2, window_bounds = array<i64: 512, 1024>}]} {
    %get3A = arith.constant 0 : index
    %get3A_0 = arith.constant 0 : index
    %get3A_1 = vector.load %arg2[%get3A, %get3A_0] : memref<512x2048xf32, #tpu.memory_space<vmem>>, vector<512x2048xf32>
    %mul3A = arith.constant 512 : i32
    %mul3A_2 = arith.muli %arg0, %mul3A : i32
    %get3A_3 = arith.index_cast %mul3A_2 : i32 to index
    %get3A_4 = arith.constant 0 : index
    %get3A_5 = vector.load %arg1[%get3A_3, %get3A_4] : memref<2048x2xf32, #tpu.memory_space<vmem>>, vector<512x2xf32>
    %slice3A = vector.extract_strided_slice %get3A_5 {offsets = [0, 0], sizes = [512, 1], strides = [1, 1]} : vector<512x2xf32> to vector<512x1xf32>
    %slice3A_6 = vector.extract_strided_slice %get3A_5 {offsets = [0, 1], sizes = [512, 1], strides = [1, 1]} : vector<512x2xf32> to vector<512x1xf32>
    %slice3A_7 = vector.extract_strided_slice %get3A_1 {offsets = [0, 0], sizes = [512, 1024], strides = [1, 1]} : vector<512x2048xf32> to vector<512x1024xf32>
    %mul3A_8 = vector.broadcast %slice3A : vector<512x1xf32> to vector<512x1024xf32>
    %mul3A_9 = arith.mulf %slice3A_7, %mul3A_8 : vector<512x1024xf32>
    %slice3A_10 = vector.extract_strided_slice %get3A_1 {offsets = [0, 1024], sizes = [512, 1024], strides = [1, 1]} : vector<512x2048xf32> to vector<512x1024xf32>
    %mul3A_11 = vector.broadcast %slice3A_6 : vector<512x1xf32> to vector<512x1024xf32>
    %mul3A_12 = arith.mulf %slice3A_10, %mul3A_11 : vector<512x1024xf32>
    %add3A = arith.addf %mul3A_9, %mul3A_12 : vector<512x1024xf32>
    %swap3A = arith.constant 0 : index
    %swap3A_13 = arith.constant 0 : index
    %swap3A_14 = vector.load %arg3[%swap3A, %swap3A_13] : memref<512x1024xf32, #tpu.memory_space<vmem>>, vector<512x1024xf32>
    tpu.vector_store %arg3[%swap3A, %swap3A_13], %add3A {strides = array<i32>} : memref<512x1024xf32, #tpu.memory_space<vmem>>, vector<512x1024xf32>,
    return
  }
  func.func @transform_0(%arg0: i32) -> (i32, i32) {
    %c0_i32 = arith.constant 0 : i32
    %c0_i32_0 = arith.constant 0 : i32
    %c0_i32_1 = arith.constant 0 : i32
    return %c0_i32, %c0_i32_0 : i32, i32
  }
  func.func @transform_1(%arg0: i32) -> (i32, i32) {
    %c0_i32 = arith.constant 0 : i32
    %c0_i32_0 = arith.constant 0 : i32
    return %arg0, %c0_i32 : i32, i32
  }
  func.func @transform_2(%arg0: i32) -> (i32, i32) {
    %c0_i32 = arith.constant 0 : i32
    %c0_i32_0 = arith.constant 0 : i32
    return %arg0, %c0_i32 : i32, i32
  }
}

</mosaic_0001>

<sc_bundles>
// kernel: kernel.6.cloned.1.call-start
scs
__scs_entry_jumppad:
0x0: {  	(pc) =	sbr.rel $0x88, $3  }
0x1: {  	(tag) =	ssettag $0x0;
	lr =	simm.s32 $0x1  }
0x2: {  	[smem:$0x3F9C] =	sst lr;
	_ =	strace $0xD0000000  }
0x3: {  	_ = 	snop  }
0x4: {  	_ = 	snop  }
0x5: {  	_ = 	snop  }
0x6: {  	_ = 	snop  }
0x7: {  	_ = 	snop  }
__scs_overlays_trampoline_lowered:
0x8: {  	[smem:$0x3FAB] =	sst s0  }
0x9: {  	[smem:$0x3FAC] =	sst s1  }
0xa: {  	[smem:$0x3FAD] =	sst s2  }
0xb: {  	[smem:$0x3FAE] =	sst s3  }
0xc: {  	[smem:$0x3FAF] =	sst s4  }
0xd: {  	[smem:$0x3FB0] =	sst s5  }
0xe: {  	[smem:$0x3FB1] =	sst s6  }
0xf: {  	[smem:$0x3FB2] =	sst s7  }
0x10: {  	[smem:$0x3FB3] =	sst s8  }
0x11: {  	[smem:$0x3FB4] =	sst s9;
	s0 =	simm.s32 @!p0 $0x0  }
0x12: {  	s1 =	sld [smem:$0x3F9A];
	s0 =	simm.s32 @p0 $0x1  }
0x13: {  	[smem:$0x3FB5] =	sst s0;
	s0 =	simm.s32 @!p1 $0x0  }
0x14: {  	s2 =	sld [smem:$0x3F99];
	s0 =	simm.s32 @p1 $0x1  }
0x15: {  	[smem:$0x3FB6] =	sst s0;
	s0 =	simm.s32 @!p2 $0x0  }
0x16: {  	s3 =	sld [smem:$0x3FDB];
	s0 =	simm.s32 @p2 $0x1  }
0x17: {  	s4 =	simm.s32 $0x1BF5;
	[smem:$0x3FB8] =	sst s0  }
0x18: {  	s0 =	sld [smem:$0x3F9B];
	_ =	swait.ge [sflag:s4], $0x0  }
0x19: {  	s7 =	sld [smem:$0x3F9C]  }
0x1a: {  	s8 =	sadd.s32 $0xFFFFE003, lr  }
0x1b: {  	s9 =	sadd.s32 $0xFFFFFEF7, lr;
	s5 =	simm.s32 $0xFFFFFFFF;
	p2 =	slt.u32 s8, $0xFFFFF086  }
0x1c: {  	p1 =	slt.u32 s9, $0xF7A;
	s5 =	simm.s32 @!p2 $0x0  }
0x1d: {  	s5 =	simm.s32 @p1 $0x1;
	p0 =	seq.s32 s7, s2  }
0x1e: {  	s7 =	smul.u32 @!p0 $0xF7A, s2;
	p2 =	seq.s32 @!p0 s5, $0x0  }
0x1f: {  	s9 =	smul.u32 $0xF7A, s1;
	s8 =	simm.s32 @!p0 $0x1BF5;
	p2 =	por !p2, p0  }
0x20: {  	[sflag:s8] =	ssyncset.s32 @!p0 $0xFFFFF086;
	s6 =	sadd.s32 @!p0 s3, s7;
	s7 =	simm.s32 @!p0 $0x108  }
0x21: {  	s3 =	sadd.s32 s3, s9;
	s6 =	sadd.s32 @!p0 $0x88, s6;
	s7 =	simm.s32 @p2 $0x1082  }
0x22: {  	[simem:s7], [sflag:s8] =	dma.local @!p0 [hbm:s6], $0xF7A  }
0x23: {  	s9 =	sor.u32 $0xD0000000, s2;
	s6 =	simm.s32 $0x108;
	_ =	swait.ge @!p0 [sflag:s8], $0x0  }
0x24: {  	s3 =	sadd.s32 $0x88, s3;
	s6 =	simm.s32 @!p1 $0x1082;
	[sflag:s4] =	ssyncset.s32 $0xFFFFF086  }
0x25: {  	[simem:s6], [sflag:s4] =	dma.local [hbm:s3], $0xF7A  }
0x26: {  	[smem:$0x3F9C] =	sst s1;
	(tag) =	ssettag s2;
	_ =	strace s9  }
0x27: {  	s1 =	sld [smem:$0x3FAC]  }
0x28: {  	s2 =	sld [smem:$0x3FAD]  }
0x29: {  	s4 =	sld [smem:$0x3FAF]  }
0x2a: {  	p0 =	seq.s32 s5, $0x0;
	s5 =	sld [smem:$0x3FB0]  }
0x2b: {  	s6 =	sld [smem:$0x3FB1]  }
0x2c: {  	s7 =	sld [smem:$0x3FB2]  }
0x2d: {  	s3 =	simm.s32 $0x108;
	s8 =	sld [smem:$0x3FB3]  }
0x2e: {  	s3 =	simm.s32 @!p0 $0x1082;
	s9 =	sld [smem:$0x3FB4]  }
0x2f: {  	lr =	sadd.s32 s0, s3;
	s0 =	sld [smem:$0x3FAB]  }
0x30: {  	s3 =	sld [smem:$0x3FAE]  }
0x31: {  	[smem:$0x3FB7] =	sst s10  }
0x32: {  	s10 =	sld [smem:$0x3FB5];
	_ =	sdelay $0x3  }
0x33: {  	p0 =	seq.s32 s10, $0x1;
	s10 =	sld [smem:$0x3FB7];
	_ =	sdelay $0x3  }
0x34: {  	[smem:$0x3FB7] =	sst s10  }
0x35: {  	s10 =	sld [smem:$0x3FB6];
	_ =	sdelay $0x3  }
0x36: {  	p1 =	seq.s32 s10, $0x1;
	s10 =	sld [smem:$0x3FB7];
	_ =	sdelay $0x3  }
0x37: {  	[smem:$0x3FB7] =	sst s10  }
0x38: {  	s10 =	sld [smem:$0x3FB8]  }
0x39: {  	_ = 	snop;
	(pc) =	sbr.ind lr, $3  }
0x3a: {  	_ = 	snop  }
0x3b: {  	_ = 	snop  }
0x3c: {  	p2 =	seq.s32 s10, $0x1;
	s10 =	sld [smem:$0x3FB7]  }
0x3d: {  	_ =	shalt  }
0x3e: {  	_ =	shalt  }
0x3f: {  	_ =	shalt  }
0x40: {  	_ =	shalt  }
0x41: {  	_ =	shalt  }
0x42: {  	_ =	shalt  }
0x43: {  	_ =	shalt  }
0x44: {  	_ =	shalt  }
0x45: {  	_ =	shalt  }
0x46: {  	_ =	shalt  }
0x47: {  	_ =	shalt  }
0x48: {  	_ =	shalt  }
0x49: {  	_ =	shalt  }
0x4a: {  	_ =	shalt  }
0x4b: {  	_ =	shalt  }
0x4c: {  	_ =	shalt  }
0x4d: {  	_ =	shalt  }
0x4e: {  	_ =	shalt  }
0x4f: {  	_ =	shalt  }
0x50: {  	_ =	shalt  }
0x51: {  	_ =	shalt  }
0x52: {  	_ =	shalt  }
0x53: {  	_ =	shalt  }
0x54: {  	_ =	shalt  }
0x55: {  	_ =	shalt  }
0x56: {  	_ =	shalt  }
0x57: {  	_ =	shalt  }
0x58: {  	_ =	shalt  }
0x59: {  	_ =	shalt  }
0x5a: {  	_ =	shalt  }
0x5b: {  	_ =	shalt  }
0x5c: {  	_ =	shalt  }
0x5d: {  	_ =	shalt  }
0x5e: {  	_ =	shalt  }
0x5f: {  	_ =	shalt  }
0x60: {  	_ =	shalt  }
0x61: {  	_ =	shalt  }
0x62: {  	_ =	shalt  }
0x63: {  	_ =	shalt  }
0x64: {  	_ =	shalt  }
0x65: {  	_ =	shalt  }
0x66: {  	_ =	shalt  }
0x67: {  	_ =	shalt  }
0x68: {  	_ =	shalt  }
0x69: {  	_ =	shalt  }
0x6a: {  	_ =	shalt  }
0x6b: {  	_ =	shalt  }
0x6c: {  	_ =	shalt  }
0x6d: {  	_ =	shalt  }
0x6e: {  	_ =	shalt  }
0x6f: {  	_ =	shalt  }
0x70: {  	_ =	shalt  }
0x71: {  	_ =	shalt  }
0x72: {  	_ =	shalt  }
0x73: {  	_ =	shalt  }
0x74: {  	_ =	shalt  }
0x75: {  	_ =	shalt  }
0x76: {  	_ =	shalt  }
0x77: {  	_ =	shalt  }
0x78: {  	_ =	shalt  }
0x79: {  	_ =	shalt  }
0x7a: {  	_ =	shalt  }
0x7b: {  	_ =	shalt  }
0x7c: {  	_ =	shalt  }
0x7d: {  	_ =	shalt  }
0x7e: {  	_ =	shalt  }
0x7f: {  	_ =	shalt  }
0x80: {  	_ =	shalt  }
0x81: {  	_ =	shalt  }
0x82: {  	_ =	shalt  }
0x83: {  	_ =	shalt  }
0x84: {  	_ =	shalt  }
0x85: {  	_ =	shalt  }
0x86: {  	_ =	shalt  }
0x87: {  	_ =	shalt  }
.Lfunc_end0:
.L_simem_size_0:
called_computation_lowered:
.L_overlay_start_0:
0x88: {  	s2 =	sld [smem:$0x3FD9]  }
0x89: {  	s3 =	sld [smem:$0x3FFE];
	_ =	sdelay $0x1  }
0x8a: {  	s1 =	srdreg.scid  }
0x8b: {  	s0 =	sand.u32 $0x1, s1  }
0x8c: {  	s17 =	sshll.u32 s0, $0xA;
	s2 =	sadd.s32 s3, s2  }
0x8d: {  	s2 =	sadd.s32 s2, s17  }
0x8e: {  	[smem:$0x3FC3] =	sst s2  }
0x8f: {  	_ = 	snop  }
0x90: {  	s2 =	sld [smem:$0x3FC9]  }
0x91: {  	s18 =	sld [smem:$0x3FD0];
	(tm) =	ssettm $0x1  }
0x92: {  	s4 =	sld [smem:$0x3FFB];
	_ =	sdelay $0x3  }
0x93: {  	_ =	strace s4  }
0x94: {  	s4 =	sld [smem:$0x3FFC];
	_ =	sdelay $0x3  }
0x95: {  	_ =	strace s4  }
0x96: {  	s4 =	sld [smem:$0x3FFD];
	_ =	sdelay $0x3  }
0x97: {  	_ =	strace s4  }
0x98: {  	_ =	strace $0x8FFFFFFF  }
0x99: {  	s19 =	sld [smem:$0x3FDB];
	_ =	sdelay $0x1  }
0x9a: {  	s5 =	simm.s32 $_scs_section_size  }
0x9b: {  	s6 =	simm.s32 $_size__tile_overlayer_lowered;
	s7 =	simm.s32 $_tile_overlayer_lowered  }
0x9c: {  	s22 =	simm.s32 $0x1BFF;
	s21 =	sshll.u32 s7, $0x1;
	s4 =	sadd.s32 s5, s19  }
0x9d: {  	s8 =	simm.s32 $0x0;
	s20 =	sshll.u32 s6, $0x1;
	s6 =	sadd.s32 s21, s4  }
0x9e: {  	[timem:s8], [sflag:s22] =	dma.local [hbm:s6], s20  }
0x9f: {  	_ =	swait.ge [sflag:s22], s20  }
0xa0: {  	s5 =	ssub.s32 $0x0, s20;
	[sflag:s22] =	ssyncset.done $0x0  }
0xa1: {  	[sflag:s22] =	ssyncadd.s32 s5;
	_ =	sdelay $0x1  }
0xa2: {  	s23 =	simm.s32 $0x1B8B  }
0xa3: {  	_ =	swait.ge [sflag:s23], $0x1  }
0xa4: {  	[sflag:s23] =	ssyncset.done $0x0  }
0xa5: {  	s25 =	simm.s32 $0x1B8E;
	s24 =	sld [smem:$0x3FFE];
	[sflag:s23] =	ssyncadd.s32 $0xFFFFFFFF  }
0xa6: {  	s26 =	simm.s32 $execute0_lowered;
	[smem:$0x3FD2] =	sst s25  }
0xa7: {  	s6 =	sshll.u32 s26, $0x1;
	_ =	strace $0x80000046;
	[dreg:$0x1] =	wrdreg $0xFFFFFFFF  }
0xa8: {  	s28 =	simm.s32 $_size_execute0_lowered;
	s4 =	sadd.s32 s4, s6;
	[dreg:$0x0] =	wrdreg $0x0  }
0xa9: {  	s6 =	sshll.u32 s28, $0x1;
	[dreg:$0x2] =	wrdreg s4  }
0xaa: {  	[dreg:$0x3] =	wrdreg s6  }
0xab: {  	[dreg:$0x4] =	wrdreg $0xC0  }
0xac: {  	_ =	task [dreg:s8], $0x5FFFF  }
0xad: {  	[dreg:$0x1] =	wrdreg $0xFFFFFFFF  }
0xae: {  	[dreg:$0x0] =	wrdreg $0x60  }
0xaf: {  	[dreg:$0x2] =	wrdreg s2  }
0xb0: {  	[dreg:$0x3] =	wrdreg s18  }
0xb1: {  	[dreg:$0x4] =	wrdreg s24  }
0xb2: {  	[dreg:$0x5] =	wrdreg $0x9  }
0xb3: {  	_ =	task.clear_ibuf [dreg:s8], $0x6FFFF;
	_ =	strace $0x90000046  }
0xb4: {  	s29 =	simm.s32 $0x9;
	_ =	strace $0x80000048  }
0xb5: {  	_ =	swait.ge [sflag:s29], $0x1  }
0xb6: {  	[sflag:s29] =	ssyncadd.s32 $0xFFFFFFFF  }
0xb7: {  	_ =	strace $0x90000048  }
0xb8: {  	_ =	sfence  }
0xb9: {  	s30 =	sld [smem:$0x0];
	_ =	sdelay $0x2  }
0xba: {  	s31 =	sshll.u32 s1, $0xD;
	s1 =	sshrl.u32 s1, $0x2  }
0xbb: {  	s3 =	sand.u32 $0x4000, s31;
	s1 =	sadd.s32 s1, s30  }
0xbc: {  	s0 =	sor.u32 s3, s0;
	s1 =	sshll.u32 s1, $0x11  }
0xbd: {  	s0 =	sor.u32 s1, s0  }
0xbe: {  	s0 =	sadd.s32 $0x8F2B, s0  }
0xbf: {  	[sflag:s0] =	ssyncadd.remote.s32 $0x1  }
0xc0: {  	_ =	sfence.sel $0xFFFF  }
0xc1: {  	[dreg:$0x0] =	wrdreg $0xFFFFFFFF;
	(pc) =	sbr.abs _section_cstart, $3  }
0xc2: {  	[dreg:$0x1] =	wrdreg $0xFFFFFFFF  }
0xc3: {  	_ =	task.clear_ibuf [dreg:s8], $0x2FFFF;
	_ =	strace $0x9FFFFFFF  }
0xc4: {  	(tm) =	ssettm $0x7FFFFFFF  }
0xc5: {  	_ =	shalt  }
tec
execute0_lowered:
.L_overlay_start_1:
0x0: {  	(tag) =	ssettag $0x1  }
0x1: {  	s1 =	rddreg [dreg:$0x0]  }
0x2: {  	s0 =	rddreg [dreg:$0x1]  }
0x3: {  	s2 =	rddreg [dreg:$0x2]  }
0x4: {  	s4 =	srdreg.scid;
	s3 =	simm.s32 $0x0;
	s5 =	stileid.u32  }
0x5: {  	s28 =	simm.s32 $0x1900;
	s29 =	simm.s32 $0x2100;
	s30 =	simm.s32 $0x2900  }
0x6: {  	s31 =	simm.s32 $0x3100;
	s10 =	simm.s32 $0x4900;
	s11 =	simm.s32 $0x5100  }
0x7: {  	s12 =	simm.s32 $0x5900;
	s13 =	simm.s32 $0x6100;
	s14 =	simm.s32 $0x6900  }
0x8: {  	s15 =	simm.s32 $0x7100;
	s4 =	sand.u32 $0x1, s4;
	[smem:$0x7FF] =	sst s3  }
0x9: {  	s5 =	sshll.u32 s5, $0x8;
	s6 =	sshll.u32 s4, $0x7;
	s4 =	ssub.s32 $0x2, s4  }
0xa: {  	_ =	strace $0x80000047;
	s5 =	sor.u32 s6, s5;
	s8 =	sshrl.u32 s4, $0x1  }
0xb: {  	s6 =	sshrl.u32 s5, $0x3;
	s7 =	sor.u32 $0x20, s5;
	s17 =	sshll.u32 s5, $0x7  }
0xc: {  	s19 =	sor.u32 $0x40, s5;
	s8 =	ssub.s32 s4, s8;
	s5 =	sor.u32 $0x60, s5  }
0xd: {  	s6 =	sadd.s32 s0, s6;
	s9 =	sshrl.u32 s7, $0x3;
	s18 =	sadd.s32 s2, s17  }
0xe: {  	s20 =	sshrl.u32 s19, $0x3;
	s21 =	sshll.u32 s7, $0x7;
	s23 =	sshrl.u32 s5, $0x3  }
0xf: {  	s24 =	sshll.u32 s19, $0x7;
	s5 =	sshll.u32 s5, $0x7;
	s7 =	smax.u32 s8, $0x1  }
0x10: {  	s8 =	simm.s32 $0x5;
	s17 =	simm.s32 $0x80;
	[dreg:$0x4] =	wrdreg s6  }
0x11: {  	s19 =	simm.s32 $0x8100;
	s16 =	sadd.s32 s0, s9;
	[dreg:$0x6] =	wrdreg s18  }
0x12: {  	s4 =	sadd.s32 s0, s20;
	s22 =	sadd.s32 s2, s21;
	s0 =	sadd.s32 s0, s23  }
0x13: {  	s25 =	sadd.s32 s2, s24;
	s26 =	sadd.s32 s2, s5;
	[dreg:$0x5] =	wrdreg s16  }
0x14: {  	s5 =	sadd.s32 $0x200, s1;
	s6 =	sadd.s32 $0x300, s1;
	[dreg:$0x7] =	wrdreg s4  }
0x15: {  	s9 =	simm.s32 $0x1;
	s20 =	simm.s32 $0x3;
	[dreg:$0x8] =	wrdreg s22  }
0x16: {  	s21 =	simm.s32 $0x2;
	s24 =	simm.s32 $0x900;
	[dreg:$0x9] =	wrdreg s0  }
0x17: {  	v2 =	vlaneseq.u32;
	s2 =	simm.s32 $0x4100;
	s18 =	simm.s32 $0x8900;
	[dreg:$0xa] =	wrdreg s25  }
0x18: {  	vm0 =	vmmov $0xffff;
	v1 =	vshrl.u32 v2, $0x3;
	s4 =	sadd.s32 $0x100, s1;
	[dreg:$0xb] =	wrdreg s26;
	s22 =	simm.s32 $0x4  }
0x19: {  	v0 =	vand.u32 $0x7, v2;
	v2 =	vor.u32 $0x8, v2;
	v1 =	vmul.u32 $0x8, v1;
	s26 =	simm.s32 $0x100;
	s25 =	simm.s32 $0x1100;
	s16 =	simm.s32 $0x7900  }
.LBB2_1:
0x1a: {  	s23 =	rddreg [dreg:$0x4]  }
0x1b: {  	[tilespmem:s3], [sflag:$0x5] =	stream.linear.gather [hbm4b:s23+s3], $0x20, $0x38;
	[tilespmem:$0x10100] =	vst v63  }
0x1c: {  	_ =	swait.ge [sflag:s8], $0x20  }
0x1d: {  	[sflag:s8] =	ssyncset.done $0x0  }
0x1e: {  	[sflag:s8] =	ssyncadd.s32 $0xFFFFFFE0  }
0x1f: {  	v3 =	vld [tilespmem:$0x0];
	_ =	sdelay $0x4  }
0x20: {  	v4 =	vshll.u32 v3, $0x3  }
0x21: {  	v3 =	vand.u32 $0x7, v3;
	v4 =	vand.u32 $0xFFFFFFC0, v4  }
0x22: {  	v3 =	vor.u32 v3, v4  }
0x23: {  	v4 =	vperm.xlane v3, v0;
	_ =	sdelay $0x1  }
0x24: {  	v4 =	vadd.s32 v1, v4;
	_ =	sdelay $0x4  }
0x25: {  	[tilespmem:s26], [sflag:$0x1] =	stream.indirect_vreg.gather [hbm4b:s1+s3], $0x80, v4, vm0, $0xb8;
	[tilespmem:$0x10100] =	vst v63  }
0x26: {  	v3 =	vperm.xlane v3, v2  }
0x27: {  	[tilespmem:s24], [sflag:$0x1] =	stream.indirect_vreg.gather [hbm4b:s4+s3], $0x80, v4, vm0, $0xb8;
	[tilespmem:$0x10100] =	vst v63  }
0x28: {  	v3 =	vadd.s32 v1, v3  }
0x29: {  	[tilespmem:s25], [sflag:$0x1] =	stream.indirect_vreg.gather [hbm4b:s5+s3], $0x80, v4, vm0, $0xb8;
	[tilespmem:$0x10100] =	vst v63  }
0x2a: {  	_ = 	snop  }
0x2b: {  	[tilespmem:s28], [sflag:$0x1] =	stream.indirect_vreg.gather [hbm4b:s6+s3], $0x80, v4, vm0, $0xb8;
	[tilespmem:$0x10100] =	vst v63  }
0x2c: {  	_ = 	snop  }
0x2d: {  	[tilespmem:s29], [sflag:$0x1] =	stream.indirect_vreg.gather [hbm4b:s1+s3], $0x80, v3, vm0, $0xb8;
	[tilespmem:$0x10100] =	vst v63  }
0x2e: {  	_ = 	snop  }
0x2f: {  	[tilespmem:s30], [sflag:$0x1] =	stream.indirect_vreg.gather [hbm4b:s4+s3], $0x80, v3, vm0, $0xb8;
	[tilespmem:$0x10100] =	vst v63  }
0x30: {  	_ = 	snop  }
0x31: {  	[tilespmem:s31], [sflag:$0x1] =	stream.indirect_vreg.gather [hbm4b:s5+s3], $0x80, v3, vm0, $0xb8;
	[tilespmem:$0x10100] =	vst v63  }
0x32: {  	s0 =	simm.s32 $0x3900  }
0x33: {  	[tilespmem:s0], [sflag:$0x1] =	stream.indirect_vreg.gather [hbm4b:s6+s3], $0x80, v3, vm0, $0xb8;
	[tilespmem:$0x10100] =	vst v63  }
0x34: {  	v3 =	vld [tilespmem:$0x10];
	_ =	sdelay $0x4  }
0x35: {  	v57 =	vshll.u32 v3, $0x3  }
0x36: {  	v3 =	vand.u32 $0x7, v3;
	v4 =	vand.u32 $0xFFFFFFC0, v57  }
0x37: {  	v3 =	vor.u32 v3, v4  }
0x38: {  	v4 =	vperm.xlane v3, v0;
	_ =	sdelay $0x1  }
0x39: {  	v4 =	vadd.s32 v1, v4;
	_ =	sdelay $0x4  }
0x3a: {  	[tilespmem:s2], [sflag:$0x1] =	stream.indirect_vreg.gather [hbm4b:s1+s3], $0x80, v4, vm0, $0xb8;
	[tilespmem:$0x10100] =	vst v63  }
0x3b: {  	v3 =	vperm.xlane v3, v2  }
0x3c: {  	[tilespmem:s10], [sflag:$0x1] =	stream.indirect_vreg.gather [hbm4b:s4+s3], $0x80, v4, vm0, $0xb8;
	[tilespmem:$0x10100] =	vst v63  }
0x3d: {  	v3 =	vadd.s32 v1, v3  }
0x3e: {  	[tilespmem:s11], [sflag:$0x1] =	stream.indirect_vreg.gather [hbm4b:s5+s3], $0x80, v4, vm0, $0xb8;
	[tilespmem:$0x10100] =	vst v63  }
0x3f: {  	_ = 	snop  }
0x40: {  	[tilespmem:s12], [sflag:$0x1] =	stream.indirect_vreg.gather [hbm4b:s6+s3], $0x80, v4, vm0, $0xb8;
	[tilespmem:$0x10100] =	vst v63  }
0x41: {  	_ = 	snop  }
0x42: {  	[tilespmem:s13], [sflag:$0x1] =	stream.indirect_vreg.gather [hbm4b:s1+s3], $0x80, v3, vm0, $0xb8;
	[tilespmem:$0x10100] =	vst v63  }
0x43: {  	_ = 	snop  }
0x44: {  	[tilespmem:s14], [sflag:$0x1] =	stream.indirect_vreg.gather [hbm4b:s4+s3], $0x80, v3, vm0, $0xb8;
	[tilespmem:$0x10100] =	vst v63  }
0x45: {  	_ = 	snop  }
0x46: {  	[tilespmem:s15], [sflag:$0x1] =	stream.indirect_vreg.gather [hbm4b:s5+s3], $0x80, v3, vm0, $0xb8;
	[tilespmem:$0x10100] =	vst v63  }
0x47: {  	_ = 	snop  }
0x48: {  	[tilespmem:s16], [sflag:$0x1] =	stream.indirect_vreg.gather [hbm4b:s6+s3], $0x80, v3, vm0, $0xb8;
	[tilespmem:$0x10100] =	vst v63  }
0x49: {  	s23 =	rddreg [dreg:$0x5]  }
0x4a: {  	[tilespmem:s17], [sflag:$0x5] =	stream.linear.gather [hbm4b:s23+s3], $0x20, $0x38;
	[tilespmem:$0x10100] =	vst v63  }
0x4b: {  	_ =	swait.ge [sflag:s8], $0x20  }
0x4c: {  	[sflag:s8] =	ssyncset.done $0x0  }
0x4d: {  	[sflag:s8] =	ssyncadd.s32 $0xFFFFFFE0  }
0x4e: {  	v3 =	vld [tilespmem:$0x80];
	_ =	sdelay $0x4  }
0x4f: {  	v58 =	vshll.u32 v3, $0x3  }
0x50: {  	v3 =	vand.u32 $0x7, v3;
	v4 =	vand.u32 $0xFFFFFFC0, v58  }
0x51: {  	v3 =	vor.u32 v3, v4  }
0x52: {  	v4 =	vperm.xlane v3, v0;
	_ =	sdelay $0x1  }
0x53: {  	v4 =	vadd.s32 v1, v4;
	_ =	sdelay $0x4  }
0x54: {  	[tilespmem:s19], [sflag:$0x2] =	stream.indirect_vreg.gather [hbm4b:s1+s3], $0x80, v4, vm0, $0xb8;
	[tilespmem:$0x10100] =	vst v63  }
0x55: {  	v3 =	vperm.xlane v3, v2  }
0x56: {  	[tilespmem:s18], [sflag:$0x2] =	stream.indirect_vreg.gather [hbm4b:s4+s3], $0x80, v4, vm0, $0xb8;
	[tilespmem:$0x10100] =	vst v63  }
0x57: {  	s23 =	simm.s32 $0x9100;
	v3 =	vadd.s32 v1, v3  }
0x58: {  	[tilespmem:s23], [sflag:$0x2] =	stream.indirect_vreg.gather [hbm4b:s5+s3], $0x80, v4, vm0, $0xb8;
	[tilespmem:$0x10100] =	vst v63  }
0x59: {  	s23 =	simm.s32 $0x9900  }
0x5a: {  	[tilespmem:s23], [sflag:$0x2] =	stream.indirect_vreg.gather [hbm4b:s6+s3], $0x80, v4, vm0, $0xb8;
	[tilespmem:$0x10100] =	vst v63  }
0x5b: {  	s23 =	simm.s32 $0xA100  }
0x5c: {  	[tilespmem:s23], [sflag:$0x2] =	stream.indirect_vreg.gather [hbm4b:s1+s3], $0x80, v3, vm0, $0xb8;
	[tilespmem:$0x10100] =	vst v63  }
0x5d: {  	s23 =	simm.s32 $0xA900  }
0x5e: {  	[tilespmem:s23], [sflag:$0x2] =	stream.indirect_vreg.gather [hbm4b:s4+s3], $0x80, v3, vm0, $0xb8;
	[tilespmem:$0x10100] =	vst v63  }
0x5f: {  	s23 =	simm.s32 $0xB100  }
0x60: {  	[tilespmem:s23], [sflag:$0x2] =	stream.indirect_vreg.gather [hbm4b:s5+s3], $0x80, v3, vm0, $0xb8;
	[tilespmem:$0x10100] =	vst v63  }
0x61: {  	s23 =	simm.s32 $0xB900  }
0x62: {  	[tilespmem:s23], [sflag:$0x2] =	stream.indirect_vreg.gather [hbm4b:s6+s3], $0x80, v3, vm0, $0xb8;
	[tilespmem:$0x10100] =	vst v63  }
0x63: {  	v3 =	vld [tilespmem:$0x90];
	_ =	sdelay $0x4  }
0x64: {  	v59 =	vshll.u32 v3, $0x3  }
0x65: {  	v3 =	vand.u32 $0x7, v3;
	v4 =	vand.u32 $0xFFFFFFC0, v59  }
0x66: {  	v3 =	vor.u32 v3, v4  }
0x67: {  	v4 =	vperm.xlane v3, v0;
	_ =	sdelay $0x1  }
0x68: {  	v4 =	vadd.s32 v1, v4;
	_ =	sdelay $0x3  }
0x69: {  	s23 =	simm.s32 $0xC100  }
0x6a: {  	[tilespmem:s23], [sflag:$0x2] =	stream.indirect_vreg.gather [hbm4b:s1+s3], $0x80, v4, vm0, $0xb8;
	[tilespmem:$0x10100] =	vst v63  }
0x6b: {  	v3 =	vperm.xlane v3, v2;
	s23 =	simm.s32 $0xC900  }
0x6c: {  	[tilespmem:s23], [sflag:$0x2] =	stream.indirect_vreg.gather [hbm4b:s4+s3], $0x80, v4, vm0, $0xb8;
	[tilespmem:$0x10100] =	vst v63  }
0x6d: {  	v3 =	vadd.s32 v1, v3;
	s23 =	simm.s32 $0xD100  }
0x6e: {  	[tilespmem:s23], [sflag:$0x2] =	stream.indirect_vreg.gather [hbm4b:s5+s3], $0x80, v4, vm0, $0xb8;
	[tilespmem:$0x10100] =	vst v63  }
0x6f: {  	s23 =	simm.s32 $0xD900  }
0x70: {  	[tilespmem:s23], [sflag:$0x2] =	stream.indirect_vreg.gather [hbm4b:s6+s3], $0x80, v4, vm0, $0xb8;
	[tilespmem:$0x10100] =	vst v63  }
0x71: {  	s23 =	simm.s32 $0xE100  }
0x72: {  	[tilespmem:s23], [sflag:$0x2] =	stream.indirect_vreg.gather [hbm4b:s1+s3], $0x80, v3, vm0, $0xb8;
	[tilespmem:$0x10100] =	vst v63  }
0x73: {  	s23 =	simm.s32 $0xE900  }
0x74: {  	[tilespmem:s23], [sflag:$0x2] =	stream.indirect_vreg.gather [hbm4b:s4+s3], $0x80, v3, vm0, $0xb8;
	[tilespmem:$0x10100] =	vst v63  }
0x75: {  	s23 =	simm.s32 $0xF100  }
0x76: {  	[tilespmem:s23], [sflag:$0x2] =	stream.indirect_vreg.gather [hbm4b:s5+s3], $0x80, v3, vm0, $0xb8;
	[tilespmem:$0x10100] =	vst v63  }
0x77: {  	s23 =	simm.s32 $0xF900  }
0x78: {  	[tilespmem:s23], [sflag:$0x2] =	stream.indirect_vreg.gather [hbm4b:s6+s3], $0x80, v3, vm0, $0xb8;
	[tilespmem:$0x10100] =	vst v63  }
0x79: {  	_ =	swait.ge [sflag:s9], $0x8000  }
0x7a: {  	[sflag:s9] =	ssyncset.done $0x0  }
0x7b: {  	s23 =	rddreg [dreg:$0x6];
	[sflag:s9] =	ssyncadd.s32 $0xFFFF8000  }
0x7c: {  	[hbm4b:s23+s3] =	stream.linear.scatter [tilespmem:s26], [sflag:$0x3], $0x8000, $0x38;
	[tilespmem:$0x10100] =	vst v63  }
0x7d: {  	_ =	swait.ge [sflag:s20], $0x8000  }
0x7e: {  	[sflag:s20] =	ssyncset.done $0x0  }
0x7f: {  	s23 =	rddreg [dreg:$0x7];
	[sflag:s20] =	ssyncadd.s32 $0xFFFF8000  }
0x80: {  	[tilespmem:s3], [sflag:$0x5] =	stream.linear.gather [hbm4b:s23+s3], $0x20, $0x38;
	[tilespmem:$0x10100] =	vst v63  }
0x81: {  	_ =	swait.ge [sflag:s8], $0x20  }
0x82: {  	[sflag:s8] =	ssyncset.done $0x0  }
0x83: {  	[sflag:s8] =	ssyncadd.s32 $0xFFFFFFE0  }
0x84: {  	v3 =	vld [tilespmem:$0x0];
	_ =	sdelay $0x4  }
0x85: {  	v60 =	vshll.u32 v3, $0x3  }
0x86: {  	v3 =	vand.u32 $0x7, v3;
	v4 =	vand.u32 $0xFFFFFFC0, v60  }
0x87: {  	v3 =	vor.u32 v3, v4  }
0x88: {  	v4 =	vperm.xlane v3, v0;
	_ =	sdelay $0x1  }
0x89: {  	v4 =	vadd.s32 v1, v4;
	_ =	sdelay $0x4  }
0x8a: {  	[tilespmem:s26], [sflag:$0x1] =	stream.indirect_vreg.gather [hbm4b:s1+s3], $0x80, v4, vm0, $0xb8;
	[tilespmem:$0x10100] =	vst v63  }
0x8b: {  	v3 =	vperm.xlane v3, v2  }
0x8c: {  	[tilespmem:s24], [sflag:$0x1] =	stream.indirect_vreg.gather [hbm4b:s4+s3], $0x80, v4, vm0, $0xb8;
	[tilespmem:$0x10100] =	vst v63  }
0x8d: {  	v3 =	vadd.s32 v1, v3  }
0x8e: {  	[tilespmem:s25], [sflag:$0x1] =	stream.indirect_vreg.gather [hbm4b:s5+s3], $0x80, v4, vm0, $0xb8;
	[tilespmem:$0x10100] =	vst v63  }
0x8f: {  	_ = 	snop  }
0x90: {  	[tilespmem:s28], [sflag:$0x1] =	stream.indirect_vreg.gather [hbm4b:s6+s3], $0x80, v4, vm0, $0xb8;
	[tilespmem:$0x10100] =	vst v63  }
0x91: {  	_ = 	snop  }
0x92: {  	[tilespmem:s29], [sflag:$0x1] =	stream.indirect_vreg.gather [hbm4b:s1+s3], $0x80, v3, vm0, $0xb8;
	[tilespmem:$0x10100] =	vst v63  }
0x93: {  	_ = 	snop  }
0x94: {  	[tilespmem:s30], [sflag:$0x1] =	stream.indirect_vreg.gather [hbm4b:s4+s3], $0x80, v3, vm0, $0xb8;
	[tilespmem:$0x10100] =	vst v63  }
0x95: {  	_ = 	snop  }
0x96: {  	[tilespmem:s31], [sflag:$0x1] =	stream.indirect_vreg.gather [hbm4b:s5+s3], $0x80, v3, vm0, $0xb8;
	[tilespmem:$0x10100] =	vst v63  }
0x97: {  	_ = 	snop  }
0x98: {  	[tilespmem:s0], [sflag:$0x1] =	stream.indirect_vreg.gather [hbm4b:s6+s3], $0x80, v3, vm0, $0xb8;
	[tilespmem:$0x10100] =	vst v63  }
0x99: {  	v3 =	vld [tilespmem:$0x10];
	_ =	sdelay $0x4  }
0x9a: {  	v61 =	vshll.u32 v3, $0x3  }
0x9b: {  	v3 =	vand.u32 $0x7, v3;
	v4 =	vand.u32 $0xFFFFFFC0, v61  }
0x9c: {  	v3 =	vor.u32 v3, v4  }
0x9d: {  	v4 =	vperm.xlane v3, v0;
	_ =	sdelay $0x1  }
0x9e: {  	v4 =	vadd.s32 v1, v4;
	_ =	sdelay $0x4  }
0x9f: {  	[tilespmem:s2], [sflag:$0x1] =	stream.indirect_vreg.gather [hbm4b:s1+s3], $0x80, v4, vm0, $0xb8;
	[tilespmem:$0x10100] =	vst v63  }
0xa0: {  	v3 =	vperm.xlane v3, v2  }
0xa1: {  	[tilespmem:s10], [sflag:$0x1] =	stream.indirect_vreg.gather [hbm4b:s4+s3], $0x80, v4, vm0, $0xb8;
	[tilespmem:$0x10100] =	vst v63  }
0xa2: {  	v3 =	vadd.s32 v1, v3  }
0xa3: {  	[tilespmem:s11], [sflag:$0x1] =	stream.indirect_vreg.gather [hbm4b:s5+s3], $0x80, v4, vm0, $0xb8;
	[tilespmem:$0x10100] =	vst v63  }
0xa4: {  	_ = 	snop  }
0xa5: {  	[tilespmem:s12], [sflag:$0x1] =	stream.indirect_vreg.gather [hbm4b:s6+s3], $0x80, v4, vm0, $0xb8;
	[tilespmem:$0x10100] =	vst v63  }
0xa6: {  	_ = 	snop  }
0xa7: {  	[tilespmem:s13], [sflag:$0x1] =	stream.indirect_vreg.gather [hbm4b:s1+s3], $0x80, v3, vm0, $0xb8;
	[tilespmem:$0x10100] =	vst v63  }
0xa8: {  	_ = 	snop  }
0xa9: {  	[tilespmem:s14], [sflag:$0x1] =	stream.indirect_vreg.gather [hbm4b:s4+s3], $0x80, v3, vm0, $0xb8;
	[tilespmem:$0x10100] =	vst v63  }
0xaa: {  	_ = 	snop  }
0xab: {  	[tilespmem:s15], [sflag:$0x1] =	stream.indirect_vreg.gather [hbm4b:s5+s3], $0x80, v3, vm0, $0xb8;
	[tilespmem:$0x10100] =	vst v63  }
0xac: {  	_ = 	snop  }
0xad: {  	[tilespmem:s16], [sflag:$0x1] =	stream.indirect_vreg.gather [hbm4b:s6+s3], $0x80, v3, vm0, $0xb8;
	[tilespmem:$0x10100] =	vst v63  }
0xae: {  	_ =	swait.ge [sflag:s21], $0x8000  }
0xaf: {  	[sflag:s21] =	ssyncset.done $0x0  }
0xb0: {  	s0 =	rddreg [dreg:$0x8];
	[sflag:s21] =	ssyncadd.s32 $0xFFFF8000  }
0xb1: {  	[hbm4b:s0+s3] =	stream.linear.scatter [tilespmem:s19], [sflag:$0x4], $0x8000, $0x38;
	[tilespmem:$0x10100] =	vst v63  }
0xb2: {  	_ =	swait.ge [sflag:s22], $0x8000  }
0xb3: {  	[sflag:s22] =	ssyncset.done $0x0  }
0xb4: {  	s0 =	rddreg [dreg:$0x9];
	[sflag:s22] =	ssyncadd.s32 $0xFFFF8000  }
0xb5: {  	[tilespmem:s17], [sflag:$0x5] =	stream.linear.gather [hbm4b:s0+s3], $0x20, $0x38;
	[tilespmem:$0x10100] =	vst v63  }
0xb6: {  	_ =	swait.ge [sflag:s8], $0x20  }
0xb7: {  	[sflag:s8] =	ssyncset.done $0x0  }
0xb8: {  	[sflag:s8] =	ssyncadd.s32 $0xFFFFFFE0  }
0xb9: {  	v3 =	vld [tilespmem:$0x80];
	_ =	sdelay $0x4  }
0xba: {  	v62 =	vshll.u32 v3, $0x3  }
0xbb: {  	v3 =	vand.u32 $0x7, v3;
	v4 =	vand.u32 $0xFFFFFFC0, v62  }
0xbc: {  	v3 =	vor.u32 v3, v4  }
0xbd: {  	v4 =	vperm.xlane v3, v0;
	_ =	sdelay $0x1  }
0xbe: {  	v4 =	vadd.s32 v1, v4;
	_ =	sdelay $0x4  }
0xbf: {  	[tilespmem:s19], [sflag:$0x2] =	stream.indirect_vreg.gather [hbm4b:s1+s3], $0x80, v4, vm0, $0xb8;
	[tilespmem:$0x10100] =	vst v63  }
0xc0: {  	v3 =	vperm.xlane v3, v2  }
0xc1: {  	[tilespmem:s18], [sflag:$0x2] =	stream.indirect_vreg.gather [hbm4b:s4+s3], $0x80, v4, vm0, $0xb8;
	[tilespmem:$0x10100] =	vst v63  }
0xc2: {  	s23 =	simm.s32 $0x9100;
	v3 =	vadd.s32 v1, v3  }
0xc3: {  	[tilespmem:s23], [sflag:$0x2] =	stream.indirect_vreg.gather [hbm4b:s5+s3], $0x80, v4, vm0, $0xb8;
	[tilespmem:$0x10100] =	vst v63  }
0xc4: {  	s23 =	simm.s32 $0x9900  }
0xc5: {  	[tilespmem:s23], [sflag:$0x2] =	stream.indirect_vreg.gather [hbm4b:s6+s3], $0x80, v4, vm0, $0xb8;
	[tilespmem:$0x10100] =	vst v63  }
0xc6: {  	s23 =	simm.s32 $0xA100  }
0xc7: {  	[tilespmem:s23], [sflag:$0x2] =	stream.indirect_vreg.gather [hbm4b:s1+s3], $0x80, v3, vm0, $0xb8;
	[tilespmem:$0x10100] =	vst v63  }
0xc8: {  	s23 =	simm.s32 $0xA900  }
0xc9: {  	[tilespmem:s23], [sflag:$0x2] =	stream.indirect_vreg.gather [hbm4b:s4+s3], $0x80, v3, vm0, $0xb8;
	[tilespmem:$0x10100] =	vst v63  }
0xca: {  	s23 =	simm.s32 $0xB100  }
0xcb: {  	[tilespmem:s23], [sflag:$0x2] =	stream.indirect_vreg.gather [hbm4b:s5+s3], $0x80, v3, vm0, $0xb8;
	[tilespmem:$0x10100] =	vst v63  }
0xcc: {  	s23 =	simm.s32 $0xB900  }
0xcd: {  	[tilespmem:s23], [sflag:$0x2] =	stream.indirect_vreg.gather [hbm4b:s6+s3], $0x80, v3, vm0, $0xb8;
	[tilespmem:$0x10100] =	vst v63  }
0xce: {  	v3 =	vld [tilespmem:$0x90];
	_ =	sdelay $0x4  }
0xcf: {  	v63 =	vshll.u32 v3, $0x3  }
0xd0: {  	v3 =	vand.u32 $0x7, v3;
	v4 =	vand.u32 $0xFFFFFFC0, v63  }
0xd1: {  	v3 =	vor.u32 v3, v4  }
0xd2: {  	v4 =	vperm.xlane v3, v0;
	_ =	sdelay $0x1  }
0xd3: {  	v4 =	vadd.s32 v1, v4;
	_ =	sdelay $0x3  }
0xd4: {  	s23 =	simm.s32 $0xC100  }
0xd5: {  	[tilespmem:s23], [sflag:$0x2] =	stream.indirect_vreg.gather [hbm4b:s1+s3], $0x80, v4, vm0, $0xb8;
	[tilespmem:$0x10100] =	vst v63  }
0xd6: {  	v3 =	vperm.xlane v3, v2;
	s23 =	simm.s32 $0xC900  }
0xd7: {  	[tilespmem:s23], [sflag:$0x2] =	stream.indirect_vreg.gather [hbm4b:s4+s3], $0x80, v4, vm0, $0xb8;
	[tilespmem:$0x10100] =	vst v63  }
0xd8: {  	v3 =	vadd.s32 v1, v3;
	s23 =	simm.s32 $0xD100  }
0xd9: {  	[tilespmem:s23], [sflag:$0x2] =	stream.indirect_vreg.gather [hbm4b:s5+s3], $0x80, v4, vm0, $0xb8;
	[tilespmem:$0x10100] =	vst v63  }
0xda: {  	s23 =	simm.s32 $0xD900  }
0xdb: {  	[tilespmem:s23], [sflag:$0x2] =	stream.indirect_vreg.gather [hbm4b:s6+s3], $0x80, v4, vm0, $0xb8;
	[tilespmem:$0x10100] =	vst v63  }
0xdc: {  	s23 =	simm.s32 $0xE100  }
0xdd: {  	[tilespmem:s23], [sflag:$0x2] =	stream.indirect_vreg.gather [hbm4b:s1+s3], $0x80, v3, vm0, $0xb8;
	[tilespmem:$0x10100] =	vst v63  }
0xde: {  	s23 =	simm.s32 $0xE900  }
0xdf: {  	[tilespmem:s23], [sflag:$0x2] =	stream.indirect_vreg.gather [hbm4b:s4+s3], $0x80, v3, vm0, $0xb8;
	[tilespmem:$0x10100] =	vst v63  }
0xe0: {  	s23 =	simm.s32 $0xF100  }
0xe1: {  	[tilespmem:s23], [sflag:$0x2] =	stream.indirect_vreg.gather [hbm4b:s5+s3], $0x80, v3, vm0, $0xb8;
	[tilespmem:$0x10100] =	vst v63  }
0xe2: {  	s23 =	simm.s32 $0xF900  }
0xe3: {  	[tilespmem:s23], [sflag:$0x2] =	stream.indirect_vreg.gather [hbm4b:s6+s3], $0x80, v3, vm0, $0xb8;
	[tilespmem:$0x10100] =	vst v63  }
0xe4: {  	_ =	swait.ge [sflag:s9], $0x8000  }
0xe5: {  	[sflag:s9] =	ssyncset.done $0x0  }
0xe6: {  	s0 =	rddreg [dreg:$0xa];
	[sflag:s9] =	ssyncadd.s32 $0xFFFF8000  }
0xe7: {  	[hbm4b:s0+s3] =	stream.linear.scatter [tilespmem:s26], [sflag:$0x3], $0x8000, $0x38;
	[tilespmem:$0x10100] =	vst v63  }
0xe8: {  	_ =	swait.ge [sflag:s21], $0x8000  }
0xe9: {  	[sflag:s21] =	ssyncset.done $0x0  }
0xea: {  	s0 =	rddreg [dreg:$0xb];
	[sflag:s21] =	ssyncadd.s32 $0xFFFF8000  }
0xeb: {  	[hbm4b:s0+s3] =	stream.linear.scatter [tilespmem:s19], [sflag:$0x4], $0x8000, $0x38;
	[tilespmem:$0x10100] =	vst v63  }
0xec: {  	p0 =	sne.s32 s7, $0x1;
	_ =	swait.ge [sflag:s20], $0x8000  }
.Ltmp0:
0xed: {  	[sflag:s20] =	ssyncset.done $0x0;
	(pc) =	sbr.rel @p0 .LBB2_1-.Ltmp0, $4  }
0xee: {  	[sflag:s20] =	ssyncadd.s32 $0xFFFF8000  }
0xef: {  	_ =	swait.ge [sflag:s22], $0x8000  }
0xf0: {  	[sflag:s22] =	ssyncset.done $0x0  }
0xf1: {  	s7 =	sadd.s32 $0xFFFFFFFF, s7;
	[sflag:s22] =	ssyncadd.s32 $0xFFFF8000  }
0xf2: {  	_ =	sfence.sel $0x180000  }
0xf3: {  	[bflag:$0x0] =	sbarrier.arrive $0xFFFF  }
0xf4: {  	_ =	strace $0x90000047  }
0xf5: {  	s0 =	stileid.u32;
	[bflag:$0x2] =	sbarrier.arrive $0xFFFF  }
0xf6: {  	p0 =	sne.s32 s0, $0x0;
	s0 =	rddreg [dreg:$0x3]  }
0xf7: {  	s0 =	sadd.s32 @!p0 $0x100000, s0  }
0xf8: {  	[sflag:s0] =	ssyncadd.tile.s32 @!p0 $0x1;
	_ =	shalt  }
.Lfunc_end2:
_tile_overlayer_lowered:
.L_overlay_start_2:
0xf9: {  	(tag) =	ssettag $0x2  }
0xfa: {  	s0 =	rddreg [dreg:$0x0];
	s2 =	stileid.u32  }
0xfb: {  	s1 =	rddreg [dreg:$0x1];
	p0 =	sne.s32 s2, $0x0  }
0xfc: {  	s3 =	rddreg [dreg:$0x2];
	[bflag:$0x3] =	sbarrier.arrive $0xFFFF;
	s2 =	simm.s32 @!p0 $0x1C05  }
0xfd: {  	[timem:s3], [sflag:s2] =	dma.local @!p0 [hbm:s0], s1  }
0xfe: {  	s0 =	simm.s32 @!p0 $0x5  }
0xff: {  	_ =	swait.ge @!p0 [sflag:s0], s1  }
0x100: {  	s1 =	ssub.s32 @!p0 $0x0, s1;
	[sflag:s0] =	ssyncset.done @!p0 $0x0  }
0x101: {  	[sflag:s0] =	ssyncadd.s32 @!p0 s1  }
0x102: {  	[bflag:$0x3] =	sbarrier.arrive $0xFFFF  }
0x103: {  	_ =	shalt  }

// kernel: kernel.9.cloned.1.call-start
scs
__scs_entry_jumppad:
0x0: {  	(pc) =	sbr.rel $0x88, $3  }
0x1: {  	(tag) =	ssettag $0x0;
	lr =	simm.s32 $0x1  }
0x2: {  	[smem:$0x3F9C] =	sst lr;
	_ =	strace $0xD0000000  }
0x3: {  	_ = 	snop  }
0x4: {  	_ = 	snop  }
0x5: {  	_ = 	snop  }
0x6: {  	_ = 	snop  }
0x7: {  	_ = 	snop  }
__scs_overlays_trampoline_lowered:
0x8: {  	[smem:$0x3FAB] =	sst s0  }
0x9: {  	[smem:$0x3FAC] =	sst s1  }
0xa: {  	[smem:$0x3FAD] =	sst s2  }
0xb: {  	[smem:$0x3FAE] =	sst s3  }
0xc: {  	[smem:$0x3FAF] =	sst s4  }
0xd: {  	[smem:$0x3FB0] =	sst s5  }
0xe: {  	[smem:$0x3FB1] =	sst s6  }
0xf: {  	[smem:$0x3FB2] =	sst s7  }
0x10: {  	[smem:$0x3FB3] =	sst s8  }
0x11: {  	[smem:$0x3FB4] =	sst s9;
	s0 =	simm.s32 @!p0 $0x0  }
0x12: {  	s1 =	sld [smem:$0x3F9A];
	s0 =	simm.s32 @p0 $0x1  }
0x13: {  	[smem:$0x3FB5] =	sst s0;
	s0 =	simm.s32 @!p1 $0x0  }
0x14: {  	s2 =	sld [smem:$0x3F99];
	s0 =	simm.s32 @p1 $0x1  }
0x15: {  	[smem:$0x3FB6] =	sst s0;
	s0 =	simm.s32 @!p2 $0x0  }
0x16: {  	s3 =	sld [smem:$0x3FDB];
	s0 =	simm.s32 @p2 $0x1  }
0x17: {  	s4 =	simm.s32 $0x1BF5;
	[smem:$0x3FB8] =	sst s0  }
0x18: {  	s0 =	sld [smem:$0x3F9B];
	_ =	swait.ge [sflag:s4], $0x0  }
0x19: {  	s7 =	sld [smem:$0x3F9C]  }
0x1a: {  	s8 =	sadd.s32 $0xFFFFE003, lr  }
0x1b: {  	s9 =	sadd.s32 $0xFFFFFEF7, lr;
	s5 =	simm.s32 $0xFFFFFFFF;
	p2 =	slt.u32 s8, $0xFFFFF086  }
0x1c: {  	p1 =	slt.u32 s9, $0xF7A;
	s5 =	simm.s32 @!p2 $0x0  }
0x1d: {  	s5 =	simm.s32 @p1 $0x1;
	p0 =	seq.s32 s7, s2  }
0x1e: {  	s7 =	smul.u32 @!p0 $0xF7A, s2;
	p2 =	seq.s32 @!p0 s5, $0x0  }
0x1f: {  	s9 =	smul.u32 $0xF7A, s1;
	s8 =	simm.s32 @!p0 $0x1BF5;
	p2 =	por !p2, p0  }
0x20: {  	[sflag:s8] =	ssyncset.s32 @!p0 $0xFFFFF086;
	s6 =	sadd.s32 @!p0 s3, s7;
	s7 =	simm.s32 @!p0 $0x108  }
0x21: {  	s3 =	sadd.s32 s3, s9;
	s6 =	sadd.s32 @!p0 $0x88, s6;
	s7 =	simm.s32 @p2 $0x1082  }
0x22: {  	[simem:s7], [sflag:s8] =	dma.local @!p0 [hbm:s6], $0xF7A  }
0x23: {  	s9 =	sor.u32 $0xD0000000, s2;
	s6 =	simm.s32 $0x108;
	_ =	swait.ge @!p0 [sflag:s8], $0x0  }
0x24: {  	s3 =	sadd.s32 $0x88, s3;
	s6 =	simm.s32 @!p1 $0x1082;
	[sflag:s4] =	ssyncset.s32 $0xFFFFF086  }
0x25: {  	[simem:s6], [sflag:s4] =	dma.local [hbm:s3], $0xF7A  }
0x26: {  	[smem:$0x3F9C] =	sst s1;
	(tag) =	ssettag s2;
	_ =	strace s9  }
0x27: {  	s1 =	sld [smem:$0x3FAC]  }
0x28: {  	s2 =	sld [smem:$0x3FAD]  }
0x29: {  	s4 =	sld [smem:$0x3FAF]  }
0x2a: {  	p0 =	seq.s32 s5, $0x0;
	s5 =	sld [smem:$0x3FB0]  }
0x2b: {  	s6 =	sld [smem:$0x3FB1]  }
0x2c: {  	s7 =	sld [smem:$0x3FB2]  }
0x2d: {  	s3 =	simm.s32 $0x108;
	s8 =	sld [smem:$0x3FB3]  }
0x2e: {  	s3 =	simm.s32 @!p0 $0x1082;
	s9 =	sld [smem:$0x3FB4]  }
0x2f: {  	lr =	sadd.s32 s0, s3;
	s0 =	sld [smem:$0x3FAB]  }
0x30: {  	s3 =	sld [smem:$0x3FAE]  }
0x31: {  	[smem:$0x3FB7] =	sst s10  }
0x32: {  	s10 =	sld [smem:$0x3FB5];
	_ =	sdelay $0x3  }
0x33: {  	p0 =	seq.s32 s10, $0x1;
	s10 =	sld [smem:$0x3FB7];
	_ =	sdelay $0x3  }
0x34: {  	[smem:$0x3FB7] =	sst s10  }
0x35: {  	s10 =	sld [smem:$0x3FB6];
	_ =	sdelay $0x3  }
0x36: {  	p1 =	seq.s32 s10, $0x1;
	s10 =	sld [smem:$0x3FB7];
	_ =	sdelay $0x3  }
0x37: {  	[smem:$0x3FB7] =	sst s10  }
0x38: {  	s10 =	sld [smem:$0x3FB8]  }
0x39: {  	_ = 	snop;
	(pc) =	sbr.ind lr, $3  }
0x3a: {  	_ = 	snop  }
0x3b: {  	_ = 	snop  }
0x3c: {  	p2 =	seq.s32 s10, $0x1;
	s10 =	sld [smem:$0x3FB7]  }
0x3d: {  	_ =	shalt  }
0x3e: {  	_ =	shalt  }
0x3f: {  	_ =	shalt  }
0x40: {  	_ =	shalt  }
0x41: {  	_ =	shalt  }
0x42: {  	_ =	shalt  }
0x43: {  	_ =	shalt  }
0x44: {  	_ =	shalt  }
0x45: {  	_ =	shalt  }
0x46: {  	_ =	shalt  }
0x47: {  	_ =	shalt  }
0x48: {  	_ =	shalt  }
0x49: {  	_ =	shalt  }
0x4a: {  	_ =	shalt  }
0x4b: {  	_ =	shalt  }
0x4c: {  	_ =	shalt  }
0x4d: {  	_ =	shalt  }
0x4e: {  	_ =	shalt  }
0x4f: {  	_ =	shalt  }
0x50: {  	_ =	shalt  }
0x51: {  	_ =	shalt  }
0x52: {  	_ =	shalt  }
0x53: {  	_ =	shalt  }
0x54: {  	_ =	shalt  }
0x55: {  	_ =	shalt  }
0x56: {  	_ =	shalt  }
0x57: {  	_ =	shalt  }
0x58: {  	_ =	shalt  }
0x59: {  	_ =	shalt  }
0x5a: {  	_ =	shalt  }
0x5b: {  	_ =	shalt  }
0x5c: {  	_ =	shalt  }
0x5d: {  	_ =	shalt  }
0x5e: {  	_ =	shalt  }
0x5f: {  	_ =	shalt  }
0x60: {  	_ =	shalt  }
0x61: {  	_ =	shalt  }
0x62: {  	_ =	shalt  }
0x63: {  	_ =	shalt  }
0x64: {  	_ =	shalt  }
0x65: {  	_ =	shalt  }
0x66: {  	_ =	shalt  }
0x67: {  	_ =	shalt  }
0x68: {  	_ =	shalt  }
0x69: {  	_ =	shalt  }
0x6a: {  	_ =	shalt  }
0x6b: {  	_ =	shalt  }
0x6c: {  	_ =	shalt  }
0x6d: {  	_ =	shalt  }
0x6e: {  	_ =	shalt  }
0x6f: {  	_ =	shalt  }
0x70: {  	_ =	shalt  }
0x71: {  	_ =	shalt  }
0x72: {  	_ =	shalt  }
0x73: {  	_ =	shalt  }
0x74: {  	_ =	shalt  }
0x75: {  	_ =	shalt  }
0x76: {  	_ =	shalt  }
0x77: {  	_ =	shalt  }
0x78: {  	_ =	shalt  }
0x79: {  	_ =	shalt  }
0x7a: {  	_ =	shalt  }
0x7b: {  	_ =	shalt  }
0x7c: {  	_ =	shalt  }
0x7d: {  	_ =	shalt  }
0x7e: {  	_ =	shalt  }
0x7f: {  	_ =	shalt  }
0x80: {  	_ =	shalt  }
0x81: {  	_ =	shalt  }
0x82: {  	_ =	shalt  }
0x83: {  	_ =	shalt  }
0x84: {  	_ =	shalt  }
0x85: {  	_ =	shalt  }
0x86: {  	_ =	shalt  }
0x87: {  	_ =	shalt  }
.Lfunc_end0:
.L_simem_size_0:
called_computation.1_lowered:
.L_overlay_start_0:
0x88: {  	s2 =	sld [smem:$0x3FD9]  }
0x89: {  	s3 =	sld [smem:$0x3FFE];
	_ =	sdelay $0x1  }
0x8a: {  	s1 =	srdreg.scid  }
0x8b: {  	s0 =	sand.u32 $0x1, s1  }
0x8c: {  	s16 =	sshll.u32 s0, $0xA;
	s2 =	sadd.s32 s3, s2  }
0x8d: {  	s2 =	sadd.s32 s2, s16  }
0x8e: {  	[smem:$0x3FC3] =	sst s2  }
0x8f: {  	_ = 	snop  }
0x90: {  	(tm) =	ssettm $0x1  }
0x91: {  	s17 =	sld [smem:$0x3FFB];
	_ =	sdelay $0x3  }
0x92: {  	_ =	strace s17  }
0x93: {  	s2 =	sld [smem:$0x3FFC];
	_ =	sdelay $0x3  }
0x94: {  	_ =	strace s2  }
0x95: {  	s2 =	sld [smem:$0x3FFD];
	_ =	sdelay $0x3  }
0x96: {  	_ =	strace s2  }
0x97: {  	_ =	strace $0x8FFFFFFF  }
0x98: {  	s18 =	sld [smem:$0x3FDB];
	_ =	sdelay $0x1  }
0x99: {  	s19 =	simm.s32 $_scs_section_size  }
0x9a: {  	s4 =	simm.s32 $_size__tile_overlayer_lowered;
	s5 =	simm.s32 $_tile_overlayer_lowered  }
0x9b: {  	s22 =	simm.s32 $0x1BFF;
	s21 =	sshll.u32 s5, $0x1;
	s2 =	sadd.s32 s19, s18  }
0x9c: {  	s6 =	simm.s32 $0x0;
	s20 =	sshll.u32 s4, $0x1;
	s4 =	sadd.s32 s21, s2  }
0x9d: {  	[timem:s6], [sflag:s22] =	dma.local [hbm:s4], s20  }
0x9e: {  	_ =	swait.ge [sflag:s22], s20  }
0x9f: {  	s3 =	ssub.s32 $0x0, s20;
	[sflag:s22] =	ssyncset.done $0x0  }
0xa0: {  	[sflag:s22] =	ssyncadd.s32 s3;
	_ =	sdelay $0x1  }
0xa1: {  	s23 =	simm.s32 $0x1B8B  }
0xa2: {  	_ =	swait.ge [sflag:s23], $0x1  }
0xa3: {  	[sflag:s23] =	ssyncset.done $0x0  }
0xa4: {  	s25 =	simm.s32 $0x1B8E;
	s24 =	sld [smem:$0x3FFE];
	[sflag:s23] =	ssyncadd.s32 $0xFFFFFFFF  }
0xa5: {  	s26 =	simm.s32 $execute0_lowered;
	[smem:$0x3FD2] =	sst s25  }
0xa6: {  	s4 =	sshll.u32 s26, $0x1;
	_ =	strace $0x80000049;
	[dreg:$0x1] =	wrdreg $0xFFFFFFFF  }
0xa7: {  	s28 =	simm.s32 $_size_execute0_lowered;
	s2 =	sadd.s32 s2, s4;
	[dreg:$0x0] =	wrdreg $0x0  }
0xa8: {  	s4 =	sshll.u32 s28, $0x1;
	[dreg:$0x2] =	wrdreg s2  }
0xa9: {  	[dreg:$0x3] =	wrdreg s4  }
0xaa: {  	[dreg:$0x4] =	wrdreg $0xC0  }
0xab: {  	_ =	task [dreg:s6], $0x5FFFF  }
0xac: {  	[dreg:$0x1] =	wrdreg $0xFFFFFFFF  }
0xad: {  	[dreg:$0x0] =	wrdreg $0x60  }
0xae: {  	[dreg:$0x2] =	wrdreg s24  }
0xaf: {  	[dreg:$0x3] =	wrdreg $0x9  }
0xb0: {  	_ =	task.clear_ibuf [dreg:s6], $0x4FFFF;
	_ =	strace $0x90000049  }
0xb1: {  	s29 =	simm.s32 $0x9;
	_ =	strace $0x8000004B  }
0xb2: {  	_ =	swait.ge [sflag:s29], $0x1  }
0xb3: {  	[sflag:s29] =	ssyncadd.s32 $0xFFFFFFFF  }
0xb4: {  	_ =	strace $0x9000004B  }
0xb5: {  	_ =	sfence  }
0xb6: {  	s30 =	sld [smem:$0x0];
	_ =	sdelay $0x2  }
0xb7: {  	s31 =	sshll.u32 s1, $0xD;
	s1 =	sshrl.u32 s1, $0x2  }
0xb8: {  	s3 =	sand.u32 $0x4000, s31;
	s1 =	sadd.s32 s1, s30  }
0xb9: {  	s0 =	sor.u32 s3, s0;
	s1 =	sshll.u32 s1, $0x11  }
0xba: {  	s0 =	sor.u32 s1, s0  }
0xbb: {  	s0 =	sadd.s32 $0x8F2B, s0  }
0xbc: {  	[sflag:s0] =	ssyncadd.remote.s32 $0x1  }
0xbd: {  	_ =	sfence.sel $0xFFFF  }
0xbe: {  	[dreg:$0x0] =	wrdreg $0xFFFFFFFF;
	(pc) =	sbr.abs _section_cstart, $3  }
0xbf: {  	[dreg:$0x1] =	wrdreg $0xFFFFFFFF  }
0xc0: {  	_ =	task.clear_ibuf [dreg:s6], $0x2FFFF;
	_ =	strace $0x9FFFFFFF  }
0xc1: {  	(tm) =	ssettm $0x7FFFFFFF  }
tec
execute0_lowered:
.L_overlay_start_1:
0x0: {  	(tag) =	ssettag $0x1  }
0x1: {  	s1 =	rddreg [dreg:$0x0];
	s3 =	simm.s32 $0x0;
	s0 =	srdreg.scid  }
0x2: {  	s2 =	stileid.u32;
	s28 =	simm.s32 $0x1900;
	s29 =	simm.s32 $0x2100  }
0x3: {  	s30 =	simm.s32 $0x2900;
	s31 =	simm.s32 $0x3100;
	s10 =	simm.s32 $0x4900  }
0x4: {  	s11 =	simm.s32 $0x5100;
	s12 =	simm.s32 $0x5900;
	s13 =	simm.s32 $0x6100  }
0x5: {  	s14 =	simm.s32 $0x6900;
	s15 =	simm.s32 $0x7100;
	s16 =	simm.s32 $0x7900  }
0x6: {  	s17 =	simm.s32 $0x80;
	[smem:$0x7FF] =	sst s3;
	s0 =	sand.u32 $0x1, s0  }
0x7: {  	s2 =	sshll.u32 s2, $0x8;
	s5 =	sadd.s32 $0x80800, s1;
	s4 =	sshll.u32 s0, $0x7  }
0x8: {  	s6 =	sadd.s32 $0x80A00, s1;
	s0 =	ssub.s32 $0x2, s0;
	s2 =	sor.u32 s4, s2  }
0x9: {  	_ =	strace $0x8000004A;
	s8 =	sshrl.u32 s0, $0x1;
	s4 =	sshrl.u32 s2, $0x3  }
0xa: {  	s7 =	sor.u32 $0x20, s2;
	s19 =	sshll.u32 s2, $0x7;
	s21 =	sor.u32 $0x40, s2  }
0xb: {  	s0 =	ssub.s32 s0, s8;
	s2 =	sor.u32 $0x60, s2;
	s8 =	simm.s32 $0x5  }
0xc: {  	s4 =	sadd.s32 s5, s4;
	s9 =	sshrl.u32 s7, $0x3;
	s20 =	sadd.s32 s6, s19  }
0xd: {  	s22 =	sshrl.u32 s21, $0x3;
	s7 =	sshll.u32 s7, $0x7;
	s24 =	sshrl.u32 s2, $0x3  }
0xe: {  	s26 =	sshll.u32 s21, $0x7;
	s2 =	sshll.u32 s2, $0x7;
	s21 =	simm.s32 $0x2  }
0xf: {  	s19 =	simm.s32 $0x8100;
	[dreg:$0x2] =	wrdreg s4;
	s18 =	sadd.s32 s5, s9  }
0x10: {  	[dreg:$0x4] =	wrdreg s20;
	s4 =	sadd.s32 s5, s22;
	s23 =	sadd.s32 s6, s7  }
0x11: {  	s25 =	sadd.s32 s5, s24;
	s5 =	sadd.s32 s6, s26;
	[dreg:$0x3] =	wrdreg s18  }
0x12: {  	s2 =	sadd.s32 s6, s2;
	s6 =	sadd.s32 $0x300, s1;
	[dreg:$0x5] =	wrdreg s4  }
0x13: {  	s7 =	smax.u32 s0, $0x1;
	s9 =	simm.s32 $0x1;
	[dreg:$0x6] =	wrdreg s23  }
0x14: {  	s20 =	simm.s32 $0x3;
	s22 =	simm.s32 $0x4;
	[dreg:$0x7] =	wrdreg s25  }
0x15: {  	v2 =	vlaneseq.u32;
	s26 =	simm.s32 $0x100;
	s24 =	simm.s32 $0x900;
	[dreg:$0x8] =	wrdreg s5  }
0x16: {  	vm0 =	vmmov $0xffff;
	v1 =	vshrl.u32 v2, $0x3;
	s4 =	sadd.s32 $0x100, s1;
	s5 =	sadd.s32 $0x200, s1;
	[dreg:$0x9] =	wrdreg s2  }
0x17: {  	v0 =	vand.u32 $0x7, v2;
	v2 =	vor.u32 $0x8, v2;
	v1 =	vmul.u32 $0x8, v1;
	s25 =	simm.s32 $0x1100;
	s2 =	simm.s32 $0x4100;
	s18 =	simm.s32 $0x8900  }
.LBB2_1:
0x18: {  	s23 =	rddreg [dreg:$0x2]  }
0x19: {  	[tilespmem:s3], [sflag:$0x5] =	stream.linear.gather [hbm4b:s23+s3], $0x20, $0x38;
	[tilespmem:$0x10100] =	vst v63  }
0x1a: {  	_ =	swait.ge [sflag:s8], $0x20  }
0x1b: {  	[sflag:s8] =	ssyncset.done $0x0  }
0x1c: {  	[sflag:s8] =	ssyncadd.s32 $0xFFFFFFE0  }
0x1d: {  	v3 =	vld [tilespmem:$0x0];
	_ =	sdelay $0x4  }
0x1e: {  	v4 =	vshll.u32 v3, $0x3  }
0x1f: {  	v3 =	vand.u32 $0x7, v3;
	v4 =	vand.u32 $0xFFFFFFC0, v4  }
0x20: {  	v3 =	vor.u32 v3, v4  }
0x21: {  	v4 =	vperm.xlane v3, v0;
	_ =	sdelay $0x1  }
0x22: {  	v4 =	vadd.s32 v1, v4;
	_ =	sdelay $0x4  }
0x23: {  	[tilespmem:s26], [sflag:$0x1] =	stream.indirect_vreg.gather [hbm4b:s1+s3], $0x80, v4, vm0, $0xb8;
	[tilespmem:$0x10100] =	vst v63  }
0x24: {  	v3 =	vperm.xlane v3, v2  }
0x25: {  	[tilespmem:s24], [sflag:$0x1] =	stream.indirect_vreg.gather [hbm4b:s4+s3], $0x80, v4, vm0, $0xb8;
	[tilespmem:$0x10100] =	vst v63  }
0x26: {  	v3 =	vadd.s32 v1, v3  }
0x27: {  	[tilespmem:s25], [sflag:$0x1] =	stream.indirect_vreg.gather [hbm4b:s5+s3], $0x80, v4, vm0, $0xb8;
	[tilespmem:$0x10100] =	vst v63  }
0x28: {  	_ = 	snop  }
0x29: {  	[tilespmem:s28], [sflag:$0x1] =	stream.indirect_vreg.gather [hbm4b:s6+s3], $0x80, v4, vm0, $0xb8;
	[tilespmem:$0x10100] =	vst v63  }
0x2a: {  	_ = 	snop  }
0x2b: {  	[tilespmem:s29], [sflag:$0x1] =	stream.indirect_vreg.gather [hbm4b:s1+s3], $0x80, v3, vm0, $0xb8;
	[tilespmem:$0x10100] =	vst v63  }
0x2c: {  	_ = 	snop  }
0x2d: {  	[tilespmem:s30], [sflag:$0x1] =	stream.indirect_vreg.gather [hbm4b:s4+s3], $0x80, v3, vm0, $0xb8;
	[tilespmem:$0x10100] =	vst v63  }
0x2e: {  	_ = 	snop  }
0x2f: {  	[tilespmem:s31], [sflag:$0x1] =	stream.indirect_vreg.gather [hbm4b:s5+s3], $0x80, v3, vm0, $0xb8;
	[tilespmem:$0x10100] =	vst v63  }
0x30: {  	s0 =	simm.s32 $0x3900  }
0x31: {  	[tilespmem:s0], [sflag:$0x1] =	stream.indirect_vreg.gather [hbm4b:s6+s3], $0x80, v3, vm0, $0xb8;
	[tilespmem:$0x10100] =	vst v63  }
0x32: {  	v3 =	vld [tilespmem:$0x10];
	_ =	sdelay $0x4  }
0x33: {  	v57 =	vshll.u32 v3, $0x3  }
0x34: {  	v3 =	vand.u32 $0x7, v3;
	v4 =	vand.u32 $0xFFFFFFC0, v57  }
0x35: {  	v3 =	vor.u32 v3, v4  }
0x36: {  	v4 =	vperm.xlane v3, v0;
	_ =	sdelay $0x1  }
0x37: {  	v4 =	vadd.s32 v1, v4;
	_ =	sdelay $0x4  }
0x38: {  	[tilespmem:s2], [sflag:$0x1] =	stream.indirect_vreg.gather [hbm4b:s1+s3], $0x80, v4, vm0, $0xb8;
	[tilespmem:$0x10100] =	vst v63  }
0x39: {  	v3 =	vperm.xlane v3, v2  }
0x3a: {  	[tilespmem:s10], [sflag:$0x1] =	stream.indirect_vreg.gather [hbm4b:s4+s3], $0x80, v4, vm0, $0xb8;
	[tilespmem:$0x10100] =	vst v63  }
0x3b: {  	v3 =	vadd.s32 v1, v3  }
0x3c: {  	[tilespmem:s11], [sflag:$0x1] =	stream.indirect_vreg.gather [hbm4b:s5+s3], $0x80, v4, vm0, $0xb8;
	[tilespmem:$0x10100] =	vst v63  }
0x3d: {  	_ = 	snop  }
0x3e: {  	[tilespmem:s12], [sflag:$0x1] =	stream.indirect_vreg.gather [hbm4b:s6+s3], $0x80, v4, vm0, $0xb8;
	[tilespmem:$0x10100] =	vst v63  }
0x3f: {  	_ = 	snop  }
0x40: {  	[tilespmem:s13], [sflag:$0x1] =	stream.indirect_vreg.gather [hbm4b:s1+s3], $0x80, v3, vm0, $0xb8;
	[tilespmem:$0x10100] =	vst v63  }
0x41: {  	_ = 	snop  }
0x42: {  	[tilespmem:s14], [sflag:$0x1] =	stream.indirect_vreg.gather [hbm4b:s4+s3], $0x80, v3, vm0, $0xb8;
	[tilespmem:$0x10100] =	vst v63  }
0x43: {  	_ = 	snop  }
0x44: {  	[tilespmem:s15], [sflag:$0x1] =	stream.indirect_vreg.gather [hbm4b:s5+s3], $0x80, v3, vm0, $0xb8;
	[tilespmem:$0x10100] =	vst v63  }
0x45: {  	_ = 	snop  }
0x46: {  	[tilespmem:s16], [sflag:$0x1] =	stream.indirect_vreg.gather [hbm4b:s6+s3], $0x80, v3, vm0, $0xb8;
	[tilespmem:$0x10100] =	vst v63  }
0x47: {  	s23 =	rddreg [dreg:$0x3]  }
0x48: {  	[tilespmem:s17], [sflag:$0x5] =	stream.linear.gather [hbm4b:s23+s3], $0x20, $0x38;
	[tilespmem:$0x10100] =	vst v63  }
0x49: {  	_ =	swait.ge [sflag:s8], $0x20  }
0x4a: {  	[sflag:s8] =	ssyncset.done $0x0  }
0x4b: {  	[sflag:s8] =	ssyncadd.s32 $0xFFFFFFE0  }
0x4c: {  	v3 =	vld [tilespmem:$0x80];
	_ =	sdelay $0x4  }
0x4d: {  	v58 =	vshll.u32 v3, $0x3  }
0x4e: {  	v3 =	vand.u32 $0x7, v3;
	v4 =	vand.u32 $0xFFFFFFC0, v58  }
0x4f: {  	v3 =	vor.u32 v3, v4  }
0x50: {  	v4 =	vperm.xlane v3, v0;
	_ =	sdelay $0x1  }
0x51: {  	v4 =	vadd.s32 v1, v4;
	_ =	sdelay $0x4  }
0x52: {  	[tilespmem:s19], [sflag:$0x2] =	stream.indirect_vreg.gather [hbm4b:s1+s3], $0x80, v4, vm0, $0xb8;
	[tilespmem:$0x10100] =	vst v63  }
0x53: {  	v3 =	vperm.xlane v3, v2  }
0x54: {  	[tilespmem:s18], [sflag:$0x2] =	stream.indirect_vreg.gather [hbm4b:s4+s3], $0x80, v4, vm0, $0xb8;
	[tilespmem:$0x10100] =	vst v63  }
0x55: {  	s23 =	simm.s32 $0x9100;
	v3 =	vadd.s32 v1, v3  }
0x56: {  	[tilespmem:s23], [sflag:$0x2] =	stream.indirect_vreg.gather [hbm4b:s5+s3], $0x80, v4, vm0, $0xb8;
	[tilespmem:$0x10100] =	vst v63  }
0x57: {  	s23 =	simm.s32 $0x9900  }
0x58: {  	[tilespmem:s23], [sflag:$0x2] =	stream.indirect_vreg.gather [hbm4b:s6+s3], $0x80, v4, vm0, $0xb8;
	[tilespmem:$0x10100] =	vst v63  }
0x59: {  	s23 =	simm.s32 $0xA100  }
0x5a: {  	[tilespmem:s23], [sflag:$0x2] =	stream.indirect_vreg.gather [hbm4b:s1+s3], $0x80, v3, vm0, $0xb8;
	[tilespmem:$0x10100] =	vst v63  }
0x5b: {  	s23 =	simm.s32 $0xA900  }
0x5c: {  	[tilespmem:s23], [sflag:$0x2] =	stream.indirect_vreg.gather [hbm4b:s4+s3], $0x80, v3, vm0, $0xb8;
	[tilespmem:$0x10100] =	vst v63  }
0x5d: {  	s23 =	simm.s32 $0xB100  }
0x5e: {  	[tilespmem:s23], [sflag:$0x2] =	stream.indirect_vreg.gather [hbm4b:s5+s3], $0x80, v3, vm0, $0xb8;
	[tilespmem:$0x10100] =	vst v63  }
0x5f: {  	s23 =	simm.s32 $0xB900  }
0x60: {  	[tilespmem:s23], [sflag:$0x2] =	stream.indirect_vreg.gather [hbm4b:s6+s3], $0x80, v3, vm0, $0xb8;
	[tilespmem:$0x10100] =	vst v63  }
0x61: {  	v3 =	vld [tilespmem:$0x90];
	_ =	sdelay $0x4  }
0x62: {  	v59 =	vshll.u32 v3, $0x3  }
0x63: {  	v3 =	vand.u32 $0x7, v3;
	v4 =	vand.u32 $0xFFFFFFC0, v59  }
0x64: {  	v3 =	vor.u32 v3, v4  }
0x65: {  	v4 =	vperm.xlane v3, v0;
	_ =	sdelay $0x1  }
0x66: {  	v4 =	vadd.s32 v1, v4;
	_ =	sdelay $0x3  }
0x67: {  	s23 =	simm.s32 $0xC100  }
0x68: {  	[tilespmem:s23], [sflag:$0x2] =	stream.indirect_vreg.gather [hbm4b:s1+s3], $0x80, v4, vm0, $0xb8;
	[tilespmem:$0x10100] =	vst v63  }
0x69: {  	v3 =	vperm.xlane v3, v2;
	s23 =	simm.s32 $0xC900  }
0x6a: {  	[tilespmem:s23], [sflag:$0x2] =	stream.indirect_vreg.gather [hbm4b:s4+s3], $0x80, v4, vm0, $0xb8;
	[tilespmem:$0x10100] =	vst v63  }
0x6b: {  	v3 =	vadd.s32 v1, v3;
	s23 =	simm.s32 $0xD100  }
0x6c: {  	[tilespmem:s23], [sflag:$0x2] =	stream.indirect_vreg.gather [hbm4b:s5+s3], $0x80, v4, vm0, $0xb8;
	[tilespmem:$0x10100] =	vst v63  }
0x6d: {  	s23 =	simm.s32 $0xD900  }
0x6e: {  	[tilespmem:s23], [sflag:$0x2] =	stream.indirect_vreg.gather [hbm4b:s6+s3], $0x80, v4, vm0, $0xb8;
	[tilespmem:$0x10100] =	vst v63  }
0x6f: {  	s23 =	simm.s32 $0xE100  }
0x70: {  	[tilespmem:s23], [sflag:$0x2] =	stream.indirect_vreg.gather [hbm4b:s1+s3], $0x80, v3, vm0, $0xb8;
	[tilespmem:$0x10100] =	vst v63  }
0x71: {  	s23 =	simm.s32 $0xE900  }
0x72: {  	[tilespmem:s23], [sflag:$0x2] =	stream.indirect_vreg.gather [hbm4b:s4+s3], $0x80, v3, vm0, $0xb8;
	[tilespmem:$0x10100] =	vst v63  }
0x73: {  	s23 =	simm.s32 $0xF100  }
0x74: {  	[tilespmem:s23], [sflag:$0x2] =	stream.indirect_vreg.gather [hbm4b:s5+s3], $0x80, v3, vm0, $0xb8;
	[tilespmem:$0x10100] =	vst v63  }
0x75: {  	s23 =	simm.s32 $0xF900  }
0x76: {  	[tilespmem:s23], [sflag:$0x2] =	stream.indirect_vreg.gather [hbm4b:s6+s3], $0x80, v3, vm0, $0xb8;
	[tilespmem:$0x10100] =	vst v63  }
0x77: {  	_ =	swait.ge [sflag:s9], $0x8000  }
0x78: {  	[sflag:s9] =	ssyncset.done $0x0  }
0x79: {  	s23 =	rddreg [dreg:$0x4];
	[sflag:s9] =	ssyncadd.s32 $0xFFFF8000  }
0x7a: {  	[hbm4b:s23+s3] =	stream.linear.scatter [tilespmem:s26], [sflag:$0x3], $0x8000, $0x38;
	[tilespmem:$0x10100] =	vst v63  }
0x7b: {  	_ =	swait.ge [sflag:s20], $0x8000  }
0x7c: {  	[sflag:s20] =	ssyncset.done $0x0  }
0x7d: {  	s23 =	rddreg [dreg:$0x5];
	[sflag:s20] =	ssyncadd.s32 $0xFFFF8000  }
0x7e: {  	[tilespmem:s3], [sflag:$0x5] =	stream.linear.gather [hbm4b:s23+s3], $0x20, $0x38;
	[tilespmem:$0x10100] =	vst v63  }
0x7f: {  	_ =	swait.ge [sflag:s8], $0x20  }
0x80: {  	[sflag:s8] =	ssyncset.done $0x0  }
0x81: {  	[sflag:s8] =	ssyncadd.s32 $0xFFFFFFE0  }
0x82: {  	v3 =	vld [tilespmem:$0x0];
	_ =	sdelay $0x4  }
0x83: {  	v60 =	vshll.u32 v3, $0x3  }
0x84: {  	v3 =	vand.u32 $0x7, v3;
	v4 =	vand.u32 $0xFFFFFFC0, v60  }
0x85: {  	v3 =	vor.u32 v3, v4  }
0x86: {  	v4 =	vperm.xlane v3, v0;
	_ =	sdelay $0x1  }
0x87: {  	v4 =	vadd.s32 v1, v4;
	_ =	sdelay $0x4  }
0x88: {  	[tilespmem:s26], [sflag:$0x1] =	stream.indirect_vreg.gather [hbm4b:s1+s3], $0x80, v4, vm0, $0xb8;
	[tilespmem:$0x10100] =	vst v63  }
0x89: {  	v3 =	vperm.xlane v3, v2  }
0x8a: {  	[tilespmem:s24], [sflag:$0x1] =	stream.indirect_vreg.gather [hbm4b:s4+s3], $0x80, v4, vm0, $0xb8;
	[tilespmem:$0x10100] =	vst v63  }
0x8b: {  	v3 =	vadd.s32 v1, v3  }
0x8c: {  	[tilespmem:s25], [sflag:$0x1] =	stream.indirect_vreg.gather [hbm4b:s5+s3], $0x80, v4, vm0, $0xb8;
	[tilespmem:$0x10100] =	vst v63  }
0x8d: {  	_ = 	snop  }
0x8e: {  	[tilespmem:s28], [sflag:$0x1] =	stream.indirect_vreg.gather [hbm4b:s6+s3], $0x80, v4, vm0, $0xb8;
	[tilespmem:$0x10100] =	vst v63  }
0x8f: {  	_ = 	snop  }
0x90: {  	[tilespmem:s29], [sflag:$0x1] =	stream.indirect_vreg.gather [hbm4b:s1+s3], $0x80, v3, vm0, $0xb8;
	[tilespmem:$0x10100] =	vst v63  }
0x91: {  	_ = 	snop  }
0x92: {  	[tilespmem:s30], [sflag:$0x1] =	stream.indirect_vreg.gather [hbm4b:s4+s3], $0x80, v3, vm0, $0xb8;
	[tilespmem:$0x10100] =	vst v63  }
0x93: {  	_ = 	snop  }
0x94: {  	[tilespmem:s31], [sflag:$0x1] =	stream.indirect_vreg.gather [hbm4b:s5+s3], $0x80, v3, vm0, $0xb8;
	[tilespmem:$0x10100] =	vst v63  }
0x95: {  	_ = 	snop  }
0x96: {  	[tilespmem:s0], [sflag:$0x1] =	stream.indirect_vreg.gather [hbm4b:s6+s3], $0x80, v3, vm0, $0xb8;
	[tilespmem:$0x10100] =	vst v63  }
0x97: {  	v3 =	vld [tilespmem:$0x10];
	_ =	sdelay $0x4  }
0x98: {  	v61 =	vshll.u32 v3, $0x3  }
0x99: {  	v3 =	vand.u32 $0x7, v3;
	v4 =	vand.u32 $0xFFFFFFC0, v61  }
0x9a: {  	v3 =	vor.u32 v3, v4  }
0x9b: {  	v4 =	vperm.xlane v3, v0;
	_ =	sdelay $0x1  }
0x9c: {  	v4 =	vadd.s32 v1, v4;
	_ =	sdelay $0x4  }
0x9d: {  	[tilespmem:s2], [sflag:$0x1] =	stream.indirect_vreg.gather [hbm4b:s1+s3], $0x80, v4, vm0, $0xb8;
	[tilespmem:$0x10100] =	vst v63  }
0x9e: {  	v3 =	vperm.xlane v3, v2  }
0x9f: {  	[tilespmem:s10], [sflag:$0x1] =	stream.indirect_vreg.gather [hbm4b:s4+s3], $0x80, v4, vm0, $0xb8;
	[tilespmem:$0x10100] =	vst v63  }
0xa0: {  	v3 =	vadd.s32 v1, v3  }
0xa1: {  	[tilespmem:s11], [sflag:$0x1] =	stream.indirect_vreg.gather [hbm4b:s5+s3], $0x80, v4, vm0, $0xb8;
	[tilespmem:$0x10100] =	vst v63  }
0xa2: {  	_ = 	snop  }
0xa3: {  	[tilespmem:s12], [sflag:$0x1] =	stream.indirect_vreg.gather [hbm4b:s6+s3], $0x80, v4, vm0, $0xb8;
	[tilespmem:$0x10100] =	vst v63  }
0xa4: {  	_ = 	snop  }
0xa5: {  	[tilespmem:s13], [sflag:$0x1] =	stream.indirect_vreg.gather [hbm4b:s1+s3], $0x80, v3, vm0, $0xb8;
	[tilespmem:$0x10100] =	vst v63  }
0xa6: {  	_ = 	snop  }
0xa7: {  	[tilespmem:s14], [sflag:$0x1] =	stream.indirect_vreg.gather [hbm4b:s4+s3], $0x80, v3, vm0, $0xb8;
	[tilespmem:$0x10100] =	vst v63  }
0xa8: {  	_ = 	snop  }
0xa9: {  	[tilespmem:s15], [sflag:$0x1] =	stream.indirect_vreg.gather [hbm4b:s5+s3], $0x80, v3, vm0, $0xb8;
	[tilespmem:$0x10100] =	vst v63  }
0xaa: {  	_ = 	snop  }
0xab: {  	[tilespmem:s16], [sflag:$0x1] =	stream.indirect_vreg.gather [hbm4b:s6+s3], $0x80, v3, vm0, $0xb8;
	[tilespmem:$0x10100] =	vst v63  }
0xac: {  	_ =	swait.ge [sflag:s21], $0x8000  }
0xad: {  	[sflag:s21] =	ssyncset.done $0x0  }
0xae: {  	s0 =	rddreg [dreg:$0x6];
	[sflag:s21] =	ssyncadd.s32 $0xFFFF8000  }
0xaf: {  	[hbm4b:s0+s3] =	stream.linear.scatter [tilespmem:s19], [sflag:$0x4], $0x8000, $0x38;
	[tilespmem:$0x10100] =	vst v63  }
0xb0: {  	_ =	swait.ge [sflag:s22], $0x8000  }
0xb1: {  	[sflag:s22] =	ssyncset.done $0x0  }
0xb2: {  	s0 =	rddreg [dreg:$0x7];
	[sflag:s22] =	ssyncadd.s32 $0xFFFF8000  }
0xb3: {  	[tilespmem:s17], [sflag:$0x5] =	stream.linear.gather [hbm4b:s0+s3], $0x20, $0x38;
	[tilespmem:$0x10100] =	vst v63  }
0xb4: {  	_ =	swait.ge [sflag:s8], $0x20  }
0xb5: {  	[sflag:s8] =	ssyncset.done $0x0  }
0xb6: {  	[sflag:s8] =	ssyncadd.s32 $0xFFFFFFE0  }
0xb7: {  	v3 =	vld [tilespmem:$0x80];
	_ =	sdelay $0x4  }
0xb8: {  	v62 =	vshll.u32 v3, $0x3  }
0xb9: {  	v3 =	vand.u32 $0x7, v3;
	v4 =	vand.u32 $0xFFFFFFC0, v62  }
0xba: {  	v3 =	vor.u32 v3, v4  }
0xbb: {  	v4 =	vperm.xlane v3, v0;
	_ =	sdelay $0x1  }
0xbc: {  	v4 =	vadd.s32 v1, v4;
	_ =	sdelay $0x4  }
0xbd: {  	[tilespmem:s19], [sflag:$0x2] =	stream.indirect_vreg.gather [hbm4b:s1+s3], $0x80, v4, vm0, $0xb8;
	[tilespmem:$0x10100] =	vst v63  }
0xbe: {  	v3 =	vperm.xlane v3, v2  }
0xbf: {  	[tilespmem:s18], [sflag:$0x2] =	stream.indirect_vreg.gather [hbm4b:s4+s3], $0x80, v4, vm0, $0xb8;
	[tilespmem:$0x10100] =	vst v63  }
0xc0: {  	s23 =	simm.s32 $0x9100;
	v3 =	vadd.s32 v1, v3  }
0xc1: {  	[tilespmem:s23], [sflag:$0x2] =	stream.indirect_vreg.gather [hbm4b:s5+s3], $0x80, v4, vm0, $0xb8;
	[tilespmem:$0x10100] =	vst v63  }
0xc2: {  	s23 =	simm.s32 $0x9900  }
0xc3: {  	[tilespmem:s23], [sflag:$0x2] =	stream.indirect_vreg.gather [hbm4b:s6+s3], $0x80, v4, vm0, $0xb8;
	[tilespmem:$0x10100] =	vst v63  }
0xc4: {  	s23 =	simm.s32 $0xA100  }
0xc5: {  	[tilespmem:s23], [sflag:$0x2] =	stream.indirect_vreg.gather [hbm4b:s1+s3], $0x80, v3, vm0, $0xb8;
	[tilespmem:$0x10100] =	vst v63  }
0xc6: {  	s23 =	simm.s32 $0xA900  }
0xc7: {  	[tilespmem:s23], [sflag:$0x2] =	stream.indirect_vreg.gather [hbm4b:s4+s3], $0x80, v3, vm0, $0xb8;
	[tilespmem:$0x10100] =	vst v63  }
0xc8: {  	s23 =	simm.s32 $0xB100  }
0xc9: {  	[tilespmem:s23], [sflag:$0x2] =	stream.indirect_vreg.gather [hbm4b:s5+s3], $0x80, v3, vm0, $0xb8;
	[tilespmem:$0x10100] =	vst v63  }
0xca: {  	s23 =	simm.s32 $0xB900  }
0xcb: {  	[tilespmem:s23], [sflag:$0x2] =	stream.indirect_vreg.gather [hbm4b:s6+s3], $0x80, v3, vm0, $0xb8;
	[tilespmem:$0x10100] =	vst v63  }
0xcc: {  	v3 =	vld [tilespmem:$0x90];
	_ =	sdelay $0x4  }
0xcd: {  	v63 =	vshll.u32 v3, $0x3  }
0xce: {  	v3 =	vand.u32 $0x7, v3;
	v4 =	vand.u32 $0xFFFFFFC0, v63  }
0xcf: {  	v3 =	vor.u32 v3, v4  }
0xd0: {  	v4 =	vperm.xlane v3, v0;
	_ =	sdelay $0x1  }
0xd1: {  	v4 =	vadd.s32 v1, v4;
	_ =	sdelay $0x3  }
0xd2: {  	s23 =	simm.s32 $0xC100  }
0xd3: {  	[tilespmem:s23], [sflag:$0x2] =	stream.indirect_vreg.gather [hbm4b:s1+s3], $0x80, v4, vm0, $0xb8;
	[tilespmem:$0x10100] =	vst v63  }
0xd4: {  	v3 =	vperm.xlane v3, v2;
	s23 =	simm.s32 $0xC900  }
0xd5: {  	[tilespmem:s23], [sflag:$0x2] =	stream.indirect_vreg.gather [hbm4b:s4+s3], $0x80, v4, vm0, $0xb8;
	[tilespmem:$0x10100] =	vst v63  }
0xd6: {  	v3 =	vadd.s32 v1, v3;
	s23 =	simm.s32 $0xD100  }
0xd7: {  	[tilespmem:s23], [sflag:$0x2] =	stream.indirect_vreg.gather [hbm4b:s5+s3], $0x80, v4, vm0, $0xb8;
	[tilespmem:$0x10100] =	vst v63  }
0xd8: {  	s23 =	simm.s32 $0xD900  }
0xd9: {  	[tilespmem:s23], [sflag:$0x2] =	stream.indirect_vreg.gather [hbm4b:s6+s3], $0x80, v4, vm0, $0xb8;
	[tilespmem:$0x10100] =	vst v63  }
0xda: {  	s23 =	simm.s32 $0xE100  }
0xdb: {  	[tilespmem:s23], [sflag:$0x2] =	stream.indirect_vreg.gather [hbm4b:s1+s3], $0x80, v3, vm0, $0xb8;
	[tilespmem:$0x10100] =	vst v63  }
0xdc: {  	s23 =	simm.s32 $0xE900  }
0xdd: {  	[tilespmem:s23], [sflag:$0x2] =	stream.indirect_vreg.gather [hbm4b:s4+s3], $0x80, v3, vm0, $0xb8;
	[tilespmem:$0x10100] =	vst v63  }
0xde: {  	s23 =	simm.s32 $0xF100  }
0xdf: {  	[tilespmem:s23], [sflag:$0x2] =	stream.indirect_vreg.gather [hbm4b:s5+s3], $0x80, v3, vm0, $0xb8;
	[tilespmem:$0x10100] =	vst v63  }
0xe0: {  	s23 =	simm.s32 $0xF900  }
0xe1: {  	[tilespmem:s23], [sflag:$0x2] =	stream.indirect_vreg.gather [hbm4b:s6+s3], $0x80, v3, vm0, $0xb8;
	[tilespmem:$0x10100] =	vst v63  }
0xe2: {  	_ =	swait.ge [sflag:s9], $0x8000  }
0xe3: {  	[sflag:s9] =	ssyncset.done $0x0  }
0xe4: {  	s0 =	rddreg [dreg:$0x8];
	[sflag:s9] =	ssyncadd.s32 $0xFFFF8000  }
0xe5: {  	[hbm4b:s0+s3] =	stream.linear.scatter [tilespmem:s26], [sflag:$0x3], $0x8000, $0x38;
	[tilespmem:$0x10100] =	vst v63  }
0xe6: {  	_ =	swait.ge [sflag:s21], $0x8000  }
0xe7: {  	[sflag:s21] =	ssyncset.done $0x0  }
0xe8: {  	s0 =	rddreg [dreg:$0x9];
	[sflag:s21] =	ssyncadd.s32 $0xFFFF8000  }
0xe9: {  	[hbm4b:s0+s3] =	stream.linear.scatter [tilespmem:s19], [sflag:$0x4], $0x8000, $0x38;
	[tilespmem:$0x10100] =	vst v63  }
0xea: {  	p0 =	sne.s32 s7, $0x1;
	_ =	swait.ge [sflag:s20], $0x8000  }
.Ltmp0:
0xeb: {  	[sflag:s20] =	ssyncset.done $0x0;
	(pc) =	sbr.rel @p0 .LBB2_1-.Ltmp0, $4  }
0xec: {  	[sflag:s20] =	ssyncadd.s32 $0xFFFF8000  }
0xed: {  	_ =	swait.ge [sflag:s22], $0x8000  }
0xee: {  	[sflag:s22] =	ssyncset.done $0x0  }
0xef: {  	s7 =	sadd.s32 $0xFFFFFFFF, s7;
	[sflag:s22] =	ssyncadd.s32 $0xFFFF8000  }
0xf0: {  	_ =	sfence.sel $0x180000  }
0xf1: {  	[bflag:$0x0] =	sbarrier.arrive $0xFFFF  }
0xf2: {  	_ =	strace $0x9000004A  }
0xf3: {  	s0 =	stileid.u32;
	[bflag:$0x2] =	sbarrier.arrive $0xFFFF  }
0xf4: {  	p0 =	sne.s32 s0, $0x0;
	s0 =	rddreg [dreg:$0x1]  }
0xf5: {  	s0 =	sadd.s32 @!p0 $0x100000, s0  }
0xf6: {  	[sflag:s0] =	ssyncadd.tile.s32 @!p0 $0x1;
	_ =	shalt  }
.Lfunc_end2:
_tile_overlayer_lowered:
.L_overlay_start_2:
0xf7: {  	(tag) =	ssettag $0x2  }
0xf8: {  	s0 =	rddreg [dreg:$0x0];
	s2 =	stileid.u32  }
0xf9: {  	s1 =	rddreg [dreg:$0x1];
	p0 =	sne.s32 s2, $0x0  }
0xfa: {  	s3 =	rddreg [dreg:$0x2];
	[bflag:$0x3] =	sbarrier.arrive $0xFFFF;
	s2 =	simm.s32 @!p0 $0x1C05  }
0xfb: {  	[timem:s3], [sflag:s2] =	dma.local @!p0 [hbm:s0], s1  }
0xfc: {  	s0 =	simm.s32 @!p0 $0x5  }
0xfd: {  	_ =	swait.ge @!p0 [sflag:s0], s1  }
0xfe: {  	s1 =	ssub.s32 @!p0 $0x0, s1;
	[sflag:s0] =	ssyncset.done @!p0 $0x0  }
0xff: {  	[sflag:s0] =	ssyncadd.s32 @!p0 s1  }
0x100: {  	[bflag:$0x3] =	sbarrier.arrive $0xFFFF  }
0x101: {  	_ =	shalt  }

</sc_bundles>
